<compile_context>
chip_gen: v7x
topology: tpu7x:2x2x1
jax: 0.10.2.dev20260603
libtpu: 0.0.44.dev20260713+nightly
codegen_flags: <defaults>
</compile_context>

<pallas_src>
import functools

import jax
import jax.numpy as jnp
from jax import lax
from jax.experimental import pallas as pl
from jax.experimental.pallas import tpu as pltpu
from jax.experimental.pallas import tpu_sc as plsc

_N = 10000
_E = 320000
_D = 128
_M = 4
_TEMP = 10.0

_NC = 2
_NS = 16
_NW = _NC * _NS
_CHUNK = 128
_CPW = 79
_TOTCH = _NW * _CPW
_EPAD = _TOTCH * _CHUNK
_NPAD = 10240
_RPT = _NPAD // _NS
_DB = _NPAD // _CHUNK


def _sc_agg_body(src_hbm, dst_hbm, x_hbm, zeros_hbm, zflat_hbm,
                 agg_out, deg_out,
                 src_v, dst_v, rows_v, deg_v, agg_s, gsem):
    cid = lax.axis_index("c")
    sid = lax.axis_index("s")
    wid = sid * _NC + cid

    pltpu.sync_copy(zeros_hbm, agg_s.at[pl.ds(sid * _RPT, _RPT)])
    pltpu.sync_copy(zflat_hbm, deg_v)
    pltpu.sync_copy(src_hbm.at[wid], src_v)
    pltpu.sync_copy(dst_hbm.at[wid], dst_v)
    plsc.subcore_barrier()

    _H = 2 * _CPW

    def _g_start(h, b):
        j, k = h >> 1, h & 1
        pltpu.async_copy(
            x_hbm.at[src_v.at[j].at[pl.ds(k * 64, 64)]],
            rows_v.at[b], gsem)

    def _g_wait(h, b):
        j, k = h >> 1, h & 1
        pltpu.make_async_copy(
            x_hbm.at[src_v.at[j].at[pl.ds(k * 64, 64)]],
            rows_v.at[b], gsem).wait()

    _g_start(0, 0)

    ones16 = jnp.full((16,), 1.0, jnp.float32)

    def _hist(t, carry):
        j = t // (_CHUNK // 16)
        k = t % (_CHUNK // 16)
        v = dst_v[j, pl.ds(k * 16, 16)]
        plsc.addupdate_scatter(deg_v, [v], ones16)
        return carry

    lax.fori_loop(0, _CPW * (_CHUNK // 16), _hist, 0)

    def _edge_step(h, carry):
        b = h & 1
        _g_wait(h, b)

        @pl.when(h + 1 < _H)
        def _prefetch():
            _g_start(h + 1, 1 - b)

        j, k = h >> 1, h & 1
        pltpu.sync_copy(rows_v.at[b],
                        agg_s.at[dst_v.at[j].at[pl.ds(k * 64, 64)]],
                        add=True)
        return carry

    lax.fori_loop(0, _H, _edge_step, 0)

    pltpu.sync_copy(deg_v, deg_out.at[cid].at[sid])
    plsc.subcore_barrier()

    pltpu.sync_copy(agg_s.at[pl.ds(sid * _RPT, _RPT)],
                    agg_out.at[cid].at[pl.ds(sid * _RPT, _RPT)])


@functools.cache
def _sc_agg():
  return functools.partial(
    pl.kernel,
    mesh=plsc.VectorSubcoreMesh(core_axis_name="c", subcore_axis_name="s",
                                num_cores=_NC, num_subcores=_NS),
    out_type=[
        jax.ShapeDtypeStruct((_NC, _NPAD, _D), jnp.float32),
        jax.ShapeDtypeStruct((_NC, _NS, _NPAD), jnp.float32),
    ],
    scratch_types=[
        pltpu.VMEM((_CPW, _CHUNK), jnp.int32),
        pltpu.VMEM((_CPW, _CHUNK), jnp.int32),
        pltpu.VMEM((2, _CHUNK // 2, _D), jnp.float32),
        pltpu.VMEM((_NPAD,), jnp.float32),
        pltpu.VMEM_SHARED((_NPAD, _D), jnp.float32),
        pltpu.SemaphoreType.DMA,
    ],
    compiler_params=pltpu.CompilerParams(needs_layout_passes=False),
  )(_sc_agg_body)


_RB = 1024
_QB = _RB // _CHUNK


def _dense_body(x_ref, agg_ref, deg_ref, wqc_ref, bc_ref, v_ref, o_ref):
    x = x_ref[...]
    logits = jnp.dot(x, wqc_ref[...], preferred_element_type=jnp.float32)
    logits = logits + bc_ref[...]
    mx = jnp.max(logits, axis=-1, keepdims=True)
    ex = jnp.exp(logits - mx)
    choice = ex / jnp.sum(ex, axis=-1, keepdims=True)

    agg = agg_ref[0] + agg_ref[1]
    deg = jnp.sum(deg_ref[...], axis=(0, 2))
    recip = 1.0 / jnp.maximum(deg, 1.0)
    rows = lax.broadcasted_iota(jnp.int32, (_CHUNK, _CHUNK), 0)
    cols = lax.broadcasted_iota(jnp.int32, (_CHUNK, _CHUNK), 1)
    eye = rows == cols
    parts = []
    for q in range(_QB):
        diag = jnp.where(eye,
                         jnp.broadcast_to(recip[q:q + 1], (_CHUNK, _CHUNK)),
                         0.0)
        parts.append(jnp.dot(diag, agg[q * _CHUNK:(q + 1) * _CHUNK],
                             preferred_element_type=jnp.float32))
    aggm = jnp.concatenate(parts, axis=0)

    acc = x
    for m in range(_M):
        tm = jnp.dot(aggm, v_ref[m], preferred_element_type=jnp.float32)
        acc = acc + choice[:, m:m + 1] * tm
    o_ref[...] = jnp.maximum(acc, 0.0)


def _dense_call(x, agg2, deg4, wqc, bc, V):
    grid = (_N + _RB - 1) // _RB
    return pl.pallas_call(
        _dense_body,
        grid=(grid,),
        in_specs=[
            pl.BlockSpec((_RB, _D), lambda i: (i, 0)),
            pl.BlockSpec((_NC, _RB, _D), lambda i: (0, i, 0)),
            pl.BlockSpec((_NW, _QB, 1, _CHUNK), lambda i: (0, i, 0, 0)),
            pl.BlockSpec((_D, _M), lambda i: (0, 0)),
            pl.BlockSpec((1, _M), lambda i: (0, 0)),
            pl.BlockSpec((_M, _D, _D), lambda i: (0, 0, 0)),
        ],
        out_specs=pl.BlockSpec((_RB, _D), lambda i: (i, 0)),
        out_shape=jax.ShapeDtypeStruct((_N, _D), jnp.float32),
    )(x, agg2, deg4, wqc, bc, V)


def kernel(x, edge_index, Wq, bq, Wcode, V):
    src = edge_index[0]
    dst = edge_index[1]
    pad = _EPAD - _E
    src_p = jnp.concatenate(
        [src, jnp.zeros((pad,), jnp.int32)]).reshape(_NW, _CPW, _CHUNK)
    dump = _N + jnp.arange(pad, dtype=jnp.int32) % (_NPAD - _N)
    dst_p = jnp.concatenate([dst, dump]).reshape(_NW, _CPW, _CHUNK)
    zeros = jnp.zeros((_RPT, _D), jnp.float32)
    zflat = jnp.zeros((_NPAD,), jnp.float32)

    agg2, deg2 = _sc_agg()(src_p, dst_p, x, zeros, zflat)

    wqc = (Wq @ Wcode.T) / _TEMP
    bc = (bq[None, :] @ Wcode.T) / _TEMP

    deg4 = deg2.reshape(_NW, _DB, 1, _CHUNK)
    return _dense_call(x, agg2, deg4, wqc, bc, V)

# --- scband reference (transcript-rebuilt; emitter-appended) ---
"""Pipeline reference for scband-test-conv-21474836480479 (READ-ONLY COPY).

The authoritative reference and input builder live on the scoring server;
editing this copy changes nothing except your own understanding.
"""

import jax, jax.numpy as jnp
import numpy as np

N = 10000
E = 320000
D = 128
M = 4
VEC = 1
TEMP = 10.0


def setup_inputs(seed: int = 0) -> dict:
    key = jax.random.key(seed)
    k1, k2, k3, k4, k5 = jax.random.split(key, 5)
    x = jax.random.normal(k1, (N, D), dtype=jnp.float32)
    edge_index = jax.random.randint(k2, (2, E), 0, N, dtype=jnp.int32)
    # learned parameters (sized per init_kwargs: inplanes=planes=128, M=4 codebook, vec_dim=1)
    Wq = jax.random.normal(k3, (D, VEC), dtype=jnp.float32) * 0.02
    bq = jnp.zeros((VEC,), dtype=jnp.float32)
    Wcode = jax.random.normal(k4, (M, VEC), dtype=jnp.float32) * 0.02
    V = jax.random.normal(k5, (M, D, D), dtype=jnp.float32) * (1.0 / np.sqrt(D))
    return {"x": x, "edge_index": edge_index, "Wq": Wq, "bq": bq, "Wcode": Wcode, "V": V}


def reference(x, edge_index, Wq, bq, Wcode, V):
    # discrete_attn aggregation path of TestConv (sparse_query neighbor gather +
    # codebook-softmax attention over M=4 conv/value transforms, temp=10):
    #   q[n]   : per-node query vector (vec_dim=1)
    #   choice : softmax(q . codebook / temp) over M codebook entries
    #   agg    : mean of gathered neighbor features (sparse kernel-map gather/scatter)
    #   out[n] : sum_m choice[n,m] * (agg[n] @ V_m), residual + ReLU
    src = edge_index[0]
    dst = edge_index[1]
    q = x @ Wq + bq                                  # [N, VEC]
    logits = (q @ Wcode.T) / TEMP                    # [N, M]
    choice = jax.nn.softmax(logits, axis=-1)         # [N, M]
    msg = jnp.take(x, src, axis=0)                   # gather neighbor feats [E, D]
    agg = jax.ops.segment_sum(msg, dst, num_segments=N)
    deg = jax.ops.segment_sum(jnp.ones((E,), dtype=x.dtype), dst, num_segments=N)
    agg = agg / jnp.clip(deg, 1.0)[:, None]
    trans = jnp.einsum('nd,mdf->nmf', agg, V)        # [N, M, D]
    out = jnp.einsum('nm,nmf->nf', choice, trans)    # [N, D]
    return jax.nn.relu(out + x)

if __name__ == "__main__":
    import jax
    _d = setup_inputs()
    print(jax.jit(kernel)(*tuple(_d.values())))

</pallas_src>

<mosaic_0001>
#map = affine_map<(d0, d1) -> (0, 0, 0)>
#map1 = affine_map<(d0, d1) -> (0, 0)>
#map2 = affine_map<(d0, d1) -> (0)>
module attributes {stable_mosaic.version = 14 : i64} {
  func.func @_sc_agg_body(%arg0: i32, %arg1: i32, %arg2: memref<32x79x128xi32, #tpu.memory_space<hbm>>, %arg3: memref<32x79x128xi32, #tpu.memory_space<hbm>>, %arg4: memref<10000x128xf32, #tpu.memory_space<hbm>>, %arg5: memref<640x128xf32, #tpu.memory_space<hbm>>, %arg6: memref<10240xf32, #tpu.memory_space<hbm>>, %arg7: memref<2x10240x128xf32, #tpu.memory_space<hbm>>, %arg8: memref<2x16x10240xf32, #tpu.memory_space<hbm>>, %arg9: memref<79x128xi32, #tpu.memory_space<vmem>>, %arg10: memref<79x128xi32, #tpu.memory_space<vmem>>, %arg11: memref<2x64x128xf32, #tpu.memory_space<vmem>>, %arg12: memref<10240xf32, #tpu.memory_space<vmem>>, %arg13: memref<10240x128xf32, #tpu.memory_space<vmem_shared>>, %arg14: memref<!tpu.dma_semaphore, #tpu.memory_space<semaphore_mem>>) attributes {dimension_semantics = [#tpu.dimension_semantics<core_parallel>, #tpu.dimension_semantics<subcore_parallel>], iteration_bounds = array<i64: 2, 16>, scalar_prefetch = 0 : i64, scratch_operands = 6 : i64, tpu.core_type = #tpu.core_type<sc_vector_subcore>, window_params = [{transform_indices = #map}, {transform_indices = #map}, {transform_indices = #map1}, {transform_indices = #map1}, {transform_indices = #map2}, {transform_indices = #map}, {transform_indices = #map}]} {
    %mul3A = arith.constant 2 : i32
    %mul3A_0 = arith.muli %arg1, %mul3A : i32
    %add3A = arith.addi %mul3A_0, %arg0 : i32
    %mul3A_1 = arith.constant 640 : i32
    %mul3A_2 = arith.muli %arg1, %mul3A_1 : i32
    "tpu.region"() ({
      %run_scoped3A = tpu.sem_alloc : memref<!tpu.dma_semaphore, #tpu.memory_space<semaphore_mem>>
      %dma_start3A_33 = arith.constant 0 : i32
      %dma_start3A_34 = tpu.memref_slice %arg13[%mul3A_2, %dma_start3A_33] : memref<10240x128xf32, #tpu.memory_space<vmem_shared>> -> memref<640x128xf32, #tpu.memory_space<vmem_shared>>
      tpu.enqueue_dma source(%arg5 : memref<640x128xf32, #tpu.memory_space<hbm>>) target(%dma_start3A_34 : memref<640x128xf32, #tpu.memory_space<vmem_shared>>) target_semaphore(%run_scoped3A : memref<!tpu.dma_semaphore, #tpu.memory_space<semaphore_mem>>)
      %dma_wait3A = arith.constant 0 : i32
      %dma_wait3A_35 = tpu.memref_slice %arg13[%mul3A_2, %dma_wait3A] : memref<10240x128xf32, #tpu.memory_space<vmem_shared>> -> memref<640x128xf32, #tpu.memory_space<vmem_shared>>
      tpu.wait_dma2 semaphore(%run_scoped3A : memref<!tpu.dma_semaphore, #tpu.memory_space<semaphore_mem>>) src(%arg5 : memref<640x128xf32, #tpu.memory_space<hbm>>) dst(%dma_wait3A_35 : memref<640x128xf32, #tpu.memory_space<vmem_shared>>)
      tpu.yield
    }) : () -> ()
    "tpu.region"() ({
      %run_scoped3A = tpu.sem_alloc : memref<!tpu.dma_semaphore, #tpu.memory_space<semaphore_mem>>
      tpu.enqueue_dma source(%arg6 : memref<10240xf32, #tpu.memory_space<hbm>>) target(%arg12 : memref<10240xf32, #tpu.memory_space<vmem>>) target_semaphore(%run_scoped3A : memref<!tpu.dma_semaphore, #tpu.memory_space<semaphore_mem>>)
      tpu.wait_dma2 semaphore(%run_scoped3A : memref<!tpu.dma_semaphore, #tpu.memory_space<semaphore_mem>>) src(%arg6 : memref<10240xf32, #tpu.memory_space<hbm>>) dst(%arg12 : memref<10240xf32, #tpu.memory_space<vmem>>)
      tpu.yield
    }) : () -> ()
    "tpu.region"() ({
      %run_scoped3A = tpu.sem_alloc : memref<!tpu.dma_semaphore, #tpu.memory_space<semaphore_mem>>
      %dma_start3A_33 = arith.constant 0 : i32
      %dma_start3A_34 = arith.constant 0 : i32
      %dma_start3A_35 = tpu.memref_slice %arg2[%add3A, %dma_start3A_33, %dma_start3A_34] : memref<32x79x128xi32, #tpu.memory_space<hbm>> -> memref<1x79x128xi32, #tpu.memory_space<hbm>>
      %dma_start3A_36 = tpu.memref_squeeze %dma_start3A_35 : memref<1x79x128xi32, #tpu.memory_space<hbm>> -> memref<79x128xi32, #tpu.memory_space<hbm>>
      %dma_start3A_37 = arith.constant 0 : i32
      %dma_start3A_38 = arith.constant 0 : i32
      %dma_start3A_39 = tpu.memref_slice %arg2[%add3A, %dma_start3A_37, %dma_start3A_38] : memref<32x79x128xi32, #tpu.memory_space<hbm>> -> memref<1x79x128xi32, #tpu.memory_space<hbm>>
      %dma_start3A_40 = tpu.memref_squeeze %dma_start3A_39 : memref<1x79x128xi32, #tpu.memory_space<hbm>> -> memref<79x128xi32, #tpu.memory_space<hbm>>
      tpu.enqueue_dma source(%dma_start3A_40 : memref<79x128xi32, #tpu.memory_space<hbm>>) target(%arg9 : memref<79x128xi32, #tpu.memory_space<vmem>>) target_semaphore(%run_scoped3A : memref<!tpu.dma_semaphore, #tpu.memory_space<semaphore_mem>>)
      %dma_wait3A = arith.constant 0 : i32
      %dma_wait3A_41 = arith.constant 0 : i32
      %dma_wait3A_42 = tpu.memref_slice %arg2[%add3A, %dma_wait3A, %dma_wait3A_41] : memref<32x79x128xi32, #tpu.memory_space<hbm>> -> memref<1x79x128xi32, #tpu.memory_space<hbm>>
      %dma_wait3A_43 = tpu.memref_squeeze %dma_wait3A_42 : memref<1x79x128xi32, #tpu.memory_space<hbm>> -> memref<79x128xi32, #tpu.memory_space<hbm>>
      %dma_wait3A_44 = arith.constant 0 : i32
      %dma_wait3A_45 = arith.constant 0 : i32
      %dma_wait3A_46 = tpu.memref_slice %arg2[%add3A, %dma_wait3A_44, %dma_wait3A_45] : memref<32x79x128xi32, #tpu.memory_space<hbm>> -> memref<1x79x128xi32, #tpu.memory_space<hbm>>
      %dma_wait3A_47 = tpu.memref_squeeze %dma_wait3A_46 : memref<1x79x128xi32, #tpu.memory_space<hbm>> -> memref<79x128xi32, #tpu.memory_space<hbm>>
      tpu.wait_dma2 semaphore(%run_scoped3A : memref<!tpu.dma_semaphore, #tpu.memory_space<semaphore_mem>>) src(%dma_wait3A_47 : memref<79x128xi32, #tpu.memory_space<hbm>>) dst(%arg9 : memref<79x128xi32, #tpu.memory_space<vmem>>)
      tpu.yield
    }) : () -> ()
    "tpu.region"() ({
      %run_scoped3A = tpu.sem_alloc : memref<!tpu.dma_semaphore, #tpu.memory_space<semaphore_mem>>
      %dma_start3A_33 = arith.constant 0 : i32
      %dma_start3A_34 = arith.constant 0 : i32
      %dma_start3A_35 = tpu.memref_slice %arg3[%add3A, %dma_start3A_33, %dma_start3A_34] : memref<32x79x128xi32, #tpu.memory_space<hbm>> -> memref<1x79x128xi32, #tpu.memory_space<hbm>>
      %dma_start3A_36 = tpu.memref_squeeze %dma_start3A_35 : memref<1x79x128xi32, #tpu.memory_space<hbm>> -> memref<79x128xi32, #tpu.memory_space<hbm>>
      %dma_start3A_37 = arith.constant 0 : i32
      %dma_start3A_38 = arith.constant 0 : i32
      %dma_start3A_39 = tpu.memref_slice %arg3[%add3A, %dma_start3A_37, %dma_start3A_38] : memref<32x79x128xi32, #tpu.memory_space<hbm>> -> memref<1x79x128xi32, #tpu.memory_space<hbm>>
      %dma_start3A_40 = tpu.memref_squeeze %dma_start3A_39 : memref<1x79x128xi32, #tpu.memory_space<hbm>> -> memref<79x128xi32, #tpu.memory_space<hbm>>
      tpu.enqueue_dma source(%dma_start3A_40 : memref<79x128xi32, #tpu.memory_space<hbm>>) target(%arg10 : memref<79x128xi32, #tpu.memory_space<vmem>>) target_semaphore(%run_scoped3A : memref<!tpu.dma_semaphore, #tpu.memory_space<semaphore_mem>>)
      %dma_wait3A = arith.constant 0 : i32
      %dma_wait3A_41 = arith.constant 0 : i32
      %dma_wait3A_42 = tpu.memref_slice %arg3[%add3A, %dma_wait3A, %dma_wait3A_41] : memref<32x79x128xi32, #tpu.memory_space<hbm>> -> memref<1x79x128xi32, #tpu.memory_space<hbm>>
      %dma_wait3A_43 = tpu.memref_squeeze %dma_wait3A_42 : memref<1x79x128xi32, #tpu.memory_space<hbm>> -> memref<79x128xi32, #tpu.memory_space<hbm>>
      %dma_wait3A_44 = arith.constant 0 : i32
      %dma_wait3A_45 = arith.constant 0 : i32
      %dma_wait3A_46 = tpu.memref_slice %arg3[%add3A, %dma_wait3A_44, %dma_wait3A_45] : memref<32x79x128xi32, #tpu.memory_space<hbm>> -> memref<1x79x128xi32, #tpu.memory_space<hbm>>
      %dma_wait3A_47 = tpu.memref_squeeze %dma_wait3A_46 : memref<1x79x128xi32, #tpu.memory_space<hbm>> -> memref<79x128xi32, #tpu.memory_space<hbm>>
      tpu.wait_dma2 semaphore(%run_scoped3A : memref<!tpu.dma_semaphore, #tpu.memory_space<semaphore_mem>>) src(%dma_wait3A_47 : memref<79x128xi32, #tpu.memory_space<hbm>>) dst(%arg10 : memref<79x128xi32, #tpu.memory_space<vmem>>)
      tpu.yield
    }) : () -> ()
    %barrier3A = arith.constant 0 : index
    tpu.barrier barrier_id(%barrier3A)
    %dma_start3A = arith.constant 0 : i32
    %dma_start3A_3 = arith.constant 0 : i32
    %dma_start3A_4 = arith.constant 0 : i32
    %dma_start3A_5 = arith.constant 0 : i32
    %dma_start3A_6 = tpu.memref_slice %arg11[%dma_start3A_3, %dma_start3A_4, %dma_start3A_5] : memref<2x64x128xf32, #tpu.memory_space<vmem>> -> memref<1x64x128xf32, #tpu.memory_space<vmem>>
    %dma_start3A_7 = tpu.memref_squeeze %dma_start3A_6 : memref<1x64x128xf32, #tpu.memory_space<vmem>> -> memref<64x128xf32, #tpu.memory_space<vmem>>
    %dma_start3A_8 = arith.constant 0 : i32
    %dma_start3A_9 = tpu.memref_slice %arg9[%dma_start3A, %dma_start3A_8] : memref<79x128xi32, #tpu.memory_space<vmem>> -> memref<1x128xi32, #tpu.memory_space<vmem>>
    %dma_start3A_10 = tpu.memref_squeeze %dma_start3A_9 : memref<1x128xi32, #tpu.memory_space<vmem>> -> memref<128xi32, #tpu.memory_space<vmem>>
    %dma_start3A_11 = arith.constant 0 : i32
    %dma_start3A_12 = tpu.memref_slice %dma_start3A_10[%dma_start3A_11] : memref<128xi32, #tpu.memory_space<vmem>> -> memref<64xi32, #tpu.memory_space<vmem>>
    %dma_start3A_13 = arith.constant 0 : i32
    %dma_start3A_14 = arith.constant 0 : i32
    %dma_start3A_15 = tpu.memref_slice %arg4[%dma_start3A_13, %dma_start3A_14] : memref<10000x128xf32, #tpu.memory_space<hbm>> -> memref<10000x128xf32, #tpu.memory_space<hbm>>
    tpu.enqueue_indirect_dma source(%dma_start3A_15 : memref<10000x128xf32, #tpu.memory_space<hbm>>) target(%dma_start3A_7 : memref<64x128xf32, #tpu.memory_space<vmem>>) offsets(%dma_start3A_12 : memref<64xi32, #tpu.memory_space<vmem>>) semaphore(%arg14 : memref<!tpu.dma_semaphore, #tpu.memory_space<semaphore_mem>>)
    %broadcast_in_dim3A = arith.constant 1.000000e+00 : f32
    %broadcast_in_dim3A_16 = vector.broadcast %broadcast_in_dim3A : f32 to vector<16xf32>
    %scan3A = arith.constant 0 : i32
    %scan3A_17 = arith.constant 0 : i32
    %scan3A_18 = arith.constant 632 : i32
    %scan3A_19 = arith.addi %scan3A_17, %scan3A_18 : i32
    %scan3A_20 = arith.constant 1 : i32
    scf.for %scan3A_33 = %scan3A_17 to %scan3A_19 step %scan3A_20  : i32 {
      %jit3A = arith.constant 8 : i32
      %div3A = arith.divsi %scan3A_33, %jit3A : i32
      %sign3A = arith.constant 0 : i32
      %sign3A_34 = arith.cmpi sgt, %scan3A_33, %sign3A : i32
      %sign3A_35 = arith.extui %sign3A_34 : i1 to i32
      %sign3A_36 = arith.constant 0 : i32
      %sign3A_37 = arith.cmpi slt, %scan3A_33, %sign3A_36 : i32
      %sign3A_38 = arith.extui %sign3A_37 : i1 to i32
      %sign3A_39 = arith.subi %sign3A_35, %sign3A_38 : i32
      %sign3A_40 = arith.constant 0 : i32
      %sign3A_41 = arith.cmpi sgt, %jit3A, %sign3A_40 : i32
      %sign3A_42 = arith.extui %sign3A_41 : i1 to i32
      %sign3A_43 = arith.constant 0 : i32
      %sign3A_44 = arith.cmpi slt, %jit3A, %sign3A_43 : i32
      %sign3A_45 = arith.extui %sign3A_44 : i1 to i32
      %sign3A_46 = arith.subi %sign3A_42, %sign3A_45 : i32
      %ne3A = arith.cmpi ne, %sign3A_39, %sign3A_46 : i32
      %rem3A = arith.remsi %scan3A_33, %jit3A : i32
      %ne3A_47 = arith.constant 0 : i32
      %ne3A_48 = arith.cmpi ne, %rem3A, %ne3A_47 : i32
      %and3A = arith.andi %ne3A, %ne3A_48 : i1
      %sub3A = arith.constant 1 : i32
      %sub3A_49 = arith.subi %div3A, %sub3A : i32
      %select_n3A = arith.select %and3A, %sub3A_49, %div3A : i32
      %jit3A_50 = arith.constant 8 : i32
      %eq3A = arith.constant 0 : i32
      %eq3A_51 = arith.cmpi eq, %jit3A_50, %eq3A : i32
      %jit3A_52 = arith.constant 1 : i32
      %select_n3A_53 = arith.select %eq3A_51, %jit3A_52, %jit3A_50 : i32
      %rem3A_54 = arith.remsi %scan3A_33, %select_n3A_53 : i32
      %ne3A_55 = arith.constant 0 : i32
      %ne3A_56 = arith.cmpi ne, %rem3A_54, %ne3A_55 : i32
      %lt3A = arith.constant 0 : i32
      %lt3A_57 = arith.cmpi slt, %rem3A_54, %lt3A : i32
      %lt3A_58 = arith.constant 0 : i32
      %lt3A_59 = arith.cmpi slt, %select_n3A_53, %lt3A_58 : i32
      %ne3A_60 = arith.xori %lt3A_57, %lt3A_59 : i1
      %and3A_61 = arith.andi %ne3A_60, %ne3A_56 : i1
      %add3A_62 = arith.addi %rem3A_54, %select_n3A_53 : i32
      %select_n3A_63 = arith.select %and3A_61, %add3A_62, %rem3A_54 : i32
      %mul3A_64 = arith.constant 16 : i32
      %mul3A_65 = arith.muli %select_n3A_63, %mul3A_64 : i32
      %get3A = arith.index_cast %select_n3A : i32 to index
      %get3A_66 = arith.index_cast %mul3A_65 : i32 to index
      %get3A_67 = tpu.vector_load %arg10[%get3A, %get3A_66] {strides = array<i32>} : memref<79x128xi32, #tpu.memory_space<vmem>>, vector<16xi32>,
      tpu.vector_store_idx %arg12[%get3A_67], %broadcast_in_dim3A_16 {add = true} : memref<10240xf32, #tpu.memory_space<vmem>>[vector<16xi32>], vector<16xf32>,
    }
    %scan3A_21 = arith.constant 632 : i32
    %scan3A_22 = arith.constant 0 : i32
    %scan3A_23 = arith.constant 0 : i32
    %scan3A_24 = arith.constant 158 : i32
    %scan3A_25 = arith.addi %scan3A_23, %scan3A_24 : i32
    %scan3A_26 = arith.constant 1 : i32
    scf.for %scan3A_33 = %scan3A_23 to %scan3A_25 step %scan3A_26  : i32 {
      %and3A = arith.constant 1 : i32
      %and3A_34 = arith.andi %scan3A_33, %and3A : i32
      %shift_right_arithmetic3A = arith.constant 1 : i32
      %shift_right_arithmetic3A_35 = arith.shrsi %scan3A_33, %shift_right_arithmetic3A : i32
      %and3A_36 = arith.constant 1 : i32
      %and3A_37 = arith.andi %scan3A_33, %and3A_36 : i32
      %mul3A_38 = arith.constant 64 : i32
      %mul3A_39 = arith.muli %and3A_37, %mul3A_38 : i32
      %dma_wait3A = arith.constant 0 : i32
      %dma_wait3A_40 = arith.constant 0 : i32
      %dma_wait3A_41 = tpu.memref_slice %arg11[%and3A_34, %dma_wait3A, %dma_wait3A_40] : memref<2x64x128xf32, #tpu.memory_space<vmem>> -> memref<1x64x128xf32, #tpu.memory_space<vmem>>
      %dma_wait3A_42 = tpu.memref_squeeze %dma_wait3A_41 : memref<1x64x128xf32, #tpu.memory_space<vmem>> -> memref<64x128xf32, #tpu.memory_space<vmem>>
      %dma_wait3A_43 = arith.constant 0 : i32
      %dma_wait3A_44 = tpu.memref_slice %arg9[%shift_right_arithmetic3A_35, %dma_wait3A_43] : memref<79x128xi32, #tpu.memory_space<vmem>> -> memref<1x128xi32, #tpu.memory_space<vmem>>
      %dma_wait3A_45 = tpu.memref_squeeze %dma_wait3A_44 : memref<1x128xi32, #tpu.memory_space<vmem>> -> memref<128xi32, #tpu.memory_space<vmem>>
      %dma_wait3A_46 = tpu.memref_slice %dma_wait3A_45[%mul3A_39] : memref<128xi32, #tpu.memory_space<vmem>> -> memref<64xi32, #tpu.memory_space<vmem>>
      %dma_wait3A_47 = arith.constant 0 : i32
      %dma_wait3A_48 = arith.constant 0 : i32
      %dma_wait3A_49 = tpu.memref_slice %arg4[%dma_wait3A_47, %dma_wait3A_48] : memref<10000x128xf32, #tpu.memory_space<hbm>> -> memref<10000x128xf32, #tpu.memory_space<hbm>>
      tpu.wait_indirect_dma semaphore(%arg14 : memref<!tpu.dma_semaphore, #tpu.memory_space<semaphore_mem>>) src(%dma_wait3A_49 : memref<10000x128xf32, #tpu.memory_space<hbm>>) dst(%dma_wait3A_42 : memref<64x128xf32, #tpu.memory_space<vmem>>)
      %add3A_50 = arith.constant 1 : i32
      %add3A_51 = arith.addi %scan3A_33, %add3A_50 : i32
      %lt3A = arith.constant 158 : i32
      %lt3A_52 = arith.cmpi slt, %add3A_51, %lt3A : i32
      %convert_element_type3A = arith.extui %lt3A_52 : i1 to i32
      %cond3A = arith.constant 0 : i32
      %cond3A_53 = arith.cmpi ne, %convert_element_type3A, %cond3A : i32
      scf.if %cond3A_53 {
        %add3A_60 = arith.constant 1 : i32
        %add3A_61 = arith.addi %scan3A_33, %add3A_60 : i32
        %sub3A = arith.constant 1 : i32
        %sub3A_62 = arith.subi %sub3A, %and3A_34 : i32
        %shift_right_arithmetic3A_63 = arith.constant 1 : i32
        %shift_right_arithmetic3A_64 = arith.shrsi %add3A_61, %shift_right_arithmetic3A_63 : i32
        %and3A_65 = arith.constant 1 : i32
        %and3A_66 = arith.andi %add3A_61, %and3A_65 : i32
        %mul3A_67 = arith.constant 64 : i32
        %mul3A_68 = arith.muli %and3A_66, %mul3A_67 : i32
        %dma_start3A_69 = arith.constant 0 : i32
        %dma_start3A_70 = arith.constant 0 : i32
        %dma_start3A_71 = tpu.memref_slice %arg11[%sub3A_62, %dma_start3A_69, %dma_start3A_70] : memref<2x64x128xf32, #tpu.memory_space<vmem>> -> memref<1x64x128xf32, #tpu.memory_space<vmem>>
        %dma_start3A_72 = tpu.memref_squeeze %dma_start3A_71 : memref<1x64x128xf32, #tpu.memory_space<vmem>> -> memref<64x128xf32, #tpu.memory_space<vmem>>
        %dma_start3A_73 = arith.constant 0 : i32
        %dma_start3A_74 = tpu.memref_slice %arg9[%shift_right_arithmetic3A_64, %dma_start3A_73] : memref<79x128xi32, #tpu.memory_space<vmem>> -> memref<1x128xi32, #tpu.memory_space<vmem>>
        %dma_start3A_75 = tpu.memref_squeeze %dma_start3A_74 : memref<1x128xi32, #tpu.memory_space<vmem>> -> memref<128xi32, #tpu.memory_space<vmem>>
        %dma_start3A_76 = tpu.memref_slice %dma_start3A_75[%mul3A_68] : memref<128xi32, #tpu.memory_space<vmem>> -> memref<64xi32, #tpu.memory_space<vmem>>
        %dma_start3A_77 = arith.constant 0 : i32
        %dma_start3A_78 = arith.constant 0 : i32
        %dma_start3A_79 = tpu.memref_slice %arg4[%dma_start3A_77, %dma_start3A_78] : memref<10000x128xf32, #tpu.memory_space<hbm>> -> memref<10000x128xf32, #tpu.memory_space<hbm>>
        tpu.enqueue_indirect_dma source(%dma_start3A_79 : memref<10000x128xf32, #tpu.memory_space<hbm>>) target(%dma_start3A_72 : memref<64x128xf32, #tpu.memory_space<vmem>>) offsets(%dma_start3A_76 : memref<64xi32, #tpu.memory_space<vmem>>) semaphore(%arg14 : memref<!tpu.dma_semaphore, #tpu.memory_space<semaphore_mem>>)
      } else {
      }
      %shift_right_arithmetic3A_54 = arith.constant 1 : i32
      %shift_right_arithmetic3A_55 = arith.shrsi %scan3A_33, %shift_right_arithmetic3A_54 : i32
      %and3A_56 = arith.constant 1 : i32
      %and3A_57 = arith.andi %scan3A_33, %and3A_56 : i32
      %mul3A_58 = arith.constant 64 : i32
      %mul3A_59 = arith.muli %and3A_57, %mul3A_58 : i32
      "tpu.region"() ({
        %run_scoped3A = tpu.sem_alloc : memref<!tpu.dma_semaphore, #tpu.memory_space<semaphore_mem>>
        %dma_start3A_60 = arith.constant 0 : i32
        %dma_start3A_61 = arith.constant 0 : i32
        %dma_start3A_62 = tpu.memref_slice %arg11[%and3A_34, %dma_start3A_60, %dma_start3A_61] : memref<2x64x128xf32, #tpu.memory_space<vmem>> -> memref<1x64x128xf32, #tpu.memory_space<vmem>>
        %dma_start3A_63 = tpu.memref_squeeze %dma_start3A_62 : memref<1x64x128xf32, #tpu.memory_space<vmem>> -> memref<64x128xf32, #tpu.memory_space<vmem>>
        %dma_start3A_64 = arith.constant 0 : i32
        %dma_start3A_65 = tpu.memref_slice %arg10[%shift_right_arithmetic3A_55, %dma_start3A_64] : memref<79x128xi32, #tpu.memory_space<vmem>> -> memref<1x128xi32, #tpu.memory_space<vmem>>
        %dma_start3A_66 = tpu.memref_squeeze %dma_start3A_65 : memref<1x128xi32, #tpu.memory_space<vmem>> -> memref<128xi32, #tpu.memory_space<vmem>>
        %dma_start3A_67 = tpu.memref_slice %dma_start3A_66[%mul3A_59] : memref<128xi32, #tpu.memory_space<vmem>> -> memref<64xi32, #tpu.memory_space<vmem>>
        %dma_start3A_68 = arith.constant 0 : i32
        %dma_start3A_69 = arith.constant 0 : i32
        %dma_start3A_70 = tpu.memref_slice %arg13[%dma_start3A_68, %dma_start3A_69] : memref<10240x128xf32, #tpu.memory_space<vmem_shared>> -> memref<10240x128xf32, #tpu.memory_space<vmem_shared>>
        tpu.enqueue_indirect_dma source(%dma_start3A_63 : memref<64x128xf32, #tpu.memory_space<vmem>>) target(%dma_start3A_70 : memref<10240x128xf32, #tpu.memory_space<vmem_shared>>) offsets(%dma_start3A_67 : memref<64xi32, #tpu.memory_space<vmem>>) semaphore(%run_scoped3A : memref<!tpu.dma_semaphore, #tpu.memory_space<semaphore_mem>>) {add = true}
        %dma_wait3A_71 = arith.constant 0 : i32
        %dma_wait3A_72 = arith.constant 0 : i32
        %dma_wait3A_73 = tpu.memref_slice %arg11[%and3A_34, %dma_wait3A_71, %dma_wait3A_72] : memref<2x64x128xf32, #tpu.memory_space<vmem>> -> memref<1x64x128xf32, #tpu.memory_space<vmem>>
        %dma_wait3A_74 = tpu.memref_squeeze %dma_wait3A_73 : memref<1x64x128xf32, #tpu.memory_space<vmem>> -> memref<64x128xf32, #tpu.memory_space<vmem>>
        %dma_wait3A_75 = arith.constant 0 : i32
        %dma_wait3A_76 = tpu.memref_slice %arg10[%shift_right_arithmetic3A_55, %dma_wait3A_75] : memref<79x128xi32, #tpu.memory_space<vmem>> -> memref<1x128xi32, #tpu.memory_space<vmem>>
        %dma_wait3A_77 = tpu.memref_squeeze %dma_wait3A_76 : memref<1x128xi32, #tpu.memory_space<vmem>> -> memref<128xi32, #tpu.memory_space<vmem>>
        %dma_wait3A_78 = tpu.memref_slice %dma_wait3A_77[%mul3A_59] : memref<128xi32, #tpu.memory_space<vmem>> -> memref<64xi32, #tpu.memory_space<vmem>>
        %dma_wait3A_79 = arith.constant 0 : i32
        %dma_wait3A_80 = arith.constant 0 : i32
        %dma_wait3A_81 = tpu.memref_slice %arg13[%dma_wait3A_79, %dma_wait3A_80] : memref<10240x128xf32, #tpu.memory_space<vmem_shared>> -> memref<10240x128xf32, #tpu.memory_space<vmem_shared>>
        tpu.wait_indirect_dma semaphore(%run_scoped3A : memref<!tpu.dma_semaphore, #tpu.memory_space<semaphore_mem>>) src(%dma_wait3A_74 : memref<64x128xf32, #tpu.memory_space<vmem>>) dst(%dma_wait3A_81 : memref<10240x128xf32, #tpu.memory_space<vmem_shared>>)
        tpu.yield
      }) : () -> ()
    }
    %scan3A_27 = arith.constant 158 : i32
    "tpu.region"() ({
      %run_scoped3A = tpu.sem_alloc : memref<!tpu.dma_semaphore, #tpu.memory_space<semaphore_mem>>
      %dma_start3A_33 = arith.constant 0 : i32
      %dma_start3A_34 = arith.constant 0 : i32
      %dma_start3A_35 = tpu.memref_slice %arg8[%arg0, %dma_start3A_33, %dma_start3A_34] : memref<2x16x10240xf32, #tpu.memory_space<hbm>> -> memref<1x16x10240xf32, #tpu.memory_space<hbm>>
      %dma_start3A_36 = tpu.memref_squeeze %dma_start3A_35 : memref<1x16x10240xf32, #tpu.memory_space<hbm>> -> memref<16x10240xf32, #tpu.memory_space<hbm>>
      %dma_start3A_37 = arith.constant 0 : i32
      %dma_start3A_38 = tpu.memref_slice %dma_start3A_36[%arg1, %dma_start3A_37] : memref<16x10240xf32, #tpu.memory_space<hbm>> -> memref<1x10240xf32, #tpu.memory_space<hbm>>
      %dma_start3A_39 = tpu.memref_squeeze %dma_start3A_38 : memref<1x10240xf32, #tpu.memory_space<hbm>> -> memref<10240xf32, #tpu.memory_space<hbm>>
      %dma_start3A_40 = arith.constant 0 : i32
      %dma_start3A_41 = arith.constant 0 : i32
      %dma_start3A_42 = tpu.memref_slice %arg8[%arg0, %dma_start3A_40, %dma_start3A_41] : memref<2x16x10240xf32, #tpu.memory_space<hbm>> -> memref<1x16x10240xf32, #tpu.memory_space<hbm>>
      %dma_start3A_43 = tpu.memref_squeeze %dma_start3A_42 : memref<1x16x10240xf32, #tpu.memory_space<hbm>> -> memref<16x10240xf32, #tpu.memory_space<hbm>>
      %dma_start3A_44 = arith.constant 0 : i32
      %dma_start3A_45 = tpu.memref_slice %dma_start3A_43[%arg1, %dma_start3A_44] : memref<16x10240xf32, #tpu.memory_space<hbm>> -> memref<1x10240xf32, #tpu.memory_space<hbm>>
      %dma_start3A_46 = tpu.memref_squeeze %dma_start3A_45 : memref<1x10240xf32, #tpu.memory_space<hbm>> -> memref<10240xf32, #tpu.memory_space<hbm>>
      tpu.enqueue_dma source(%arg12 : memref<10240xf32, #tpu.memory_space<vmem>>) target(%dma_start3A_46 : memref<10240xf32, #tpu.memory_space<hbm>>) target_semaphore(%run_scoped3A : memref<!tpu.dma_semaphore, #tpu.memory_space<semaphore_mem>>)
      %dma_wait3A = arith.constant 0 : i32
      %dma_wait3A_47 = arith.constant 0 : i32
      %dma_wait3A_48 = tpu.memref_slice %arg8[%arg0, %dma_wait3A, %dma_wait3A_47] : memref<2x16x10240xf32, #tpu.memory_space<hbm>> -> memref<1x16x10240xf32, #tpu.memory_space<hbm>>
      %dma_wait3A_49 = tpu.memref_squeeze %dma_wait3A_48 : memref<1x16x10240xf32, #tpu.memory_space<hbm>> -> memref<16x10240xf32, #tpu.memory_space<hbm>>
      %dma_wait3A_50 = arith.constant 0 : i32
      %dma_wait3A_51 = tpu.memref_slice %dma_wait3A_49[%arg1, %dma_wait3A_50] : memref<16x10240xf32, #tpu.memory_space<hbm>> -> memref<1x10240xf32, #tpu.memory_space<hbm>>
      %dma_wait3A_52 = tpu.memref_squeeze %dma_wait3A_51 : memref<1x10240xf32, #tpu.memory_space<hbm>> -> memref<10240xf32, #tpu.memory_space<hbm>>
      %dma_wait3A_53 = arith.constant 0 : i32
      %dma_wait3A_54 = arith.constant 0 : i32
      %dma_wait3A_55 = tpu.memref_slice %arg8[%arg0, %dma_wait3A_53, %dma_wait3A_54] : memref<2x16x10240xf32, #tpu.memory_space<hbm>> -> memref<1x16x10240xf32, #tpu.memory_space<hbm>>
      %dma_wait3A_56 = tpu.memref_squeeze %dma_wait3A_55 : memref<1x16x10240xf32, #tpu.memory_space<hbm>> -> memref<16x10240xf32, #tpu.memory_space<hbm>>
      %dma_wait3A_57 = arith.constant 0 : i32
      %dma_wait3A_58 = tpu.memref_slice %dma_wait3A_56[%arg1, %dma_wait3A_57] : memref<16x10240xf32, #tpu.memory_space<hbm>> -> memref<1x10240xf32, #tpu.memory_space<hbm>>
      %dma_wait3A_59 = tpu.memref_squeeze %dma_wait3A_58 : memref<1x10240xf32, #tpu.memory_space<hbm>> -> memref<10240xf32, #tpu.memory_space<hbm>>
      tpu.wait_dma2 semaphore(%run_scoped3A : memref<!tpu.dma_semaphore, #tpu.memory_space<semaphore_mem>>) src(%arg12 : memref<10240xf32, #tpu.memory_space<vmem>>) dst(%dma_wait3A_59 : memref<10240xf32, #tpu.memory_space<hbm>>)
      tpu.yield
    }) : () -> ()
    %barrier3A_28 = arith.constant 0 : index
    tpu.barrier barrier_id(%barrier3A_28)
    %mul3A_29 = arith.constant 640 : i32
    %mul3A_30 = arith.muli %arg1, %mul3A_29 : i32
    %mul3A_31 = arith.constant 640 : i32
    %mul3A_32 = arith.muli %arg1, %mul3A_31 : i32
    "tpu.region"() ({
      %run_scoped3A = tpu.sem_alloc : memref<!tpu.dma_semaphore, #tpu.memory_space<semaphore_mem>>
      %dma_start3A_33 = arith.constant 0 : i32
      %dma_start3A_34 = arith.constant 0 : i32
      %dma_start3A_35 = tpu.memref_slice %arg7[%arg0, %dma_start3A_33, %dma_start3A_34] : memref<2x10240x128xf32, #tpu.memory_space<hbm>> -> memref<1x10240x128xf32, #tpu.memory_space<hbm>>
      %dma_start3A_36 = tpu.memref_squeeze %dma_start3A_35 : memref<1x10240x128xf32, #tpu.memory_space<hbm>> -> memref<10240x128xf32, #tpu.memory_space<hbm>>
      %dma_start3A_37 = arith.constant 0 : i32
      %dma_start3A_38 = tpu.memref_slice %dma_start3A_36[%mul3A_32, %dma_start3A_37] : memref<10240x128xf32, #tpu.memory_space<hbm>> -> memref<640x128xf32, #tpu.memory_space<hbm>>
      %dma_start3A_39 = arith.constant 0 : i32
      %dma_start3A_40 = tpu.memref_slice %arg13[%mul3A_30, %dma_start3A_39] : memref<10240x128xf32, #tpu.memory_space<vmem_shared>> -> memref<640x128xf32, #tpu.memory_space<vmem_shared>>
      tpu.enqueue_dma source(%dma_start3A_40 : memref<640x128xf32, #tpu.memory_space<vmem_shared>>) target(%dma_start3A_38 : memref<640x128xf32, #tpu.memory_space<hbm>>) target_semaphore(%run_scoped3A : memref<!tpu.dma_semaphore, #tpu.memory_space<semaphore_mem>>)
      %dma_wait3A = arith.constant 0 : i32
      %dma_wait3A_41 = arith.constant 0 : i32
      %dma_wait3A_42 = tpu.memref_slice %arg7[%arg0, %dma_wait3A, %dma_wait3A_41] : memref<2x10240x128xf32, #tpu.memory_space<hbm>> -> memref<1x10240x128xf32, #tpu.memory_space<hbm>>
      %dma_wait3A_43 = tpu.memref_squeeze %dma_wait3A_42 : memref<1x10240x128xf32, #tpu.memory_space<hbm>> -> memref<10240x128xf32, #tpu.memory_space<hbm>>
      %dma_wait3A_44 = arith.constant 0 : i32
      %dma_wait3A_45 = tpu.memref_slice %dma_wait3A_43[%mul3A_32, %dma_wait3A_44] : memref<10240x128xf32, #tpu.memory_space<hbm>> -> memref<640x128xf32, #tpu.memory_space<hbm>>
      %dma_wait3A_46 = arith.constant 0 : i32
      %dma_wait3A_47 = tpu.memref_slice %arg13[%mul3A_30, %dma_wait3A_46] : memref<10240x128xf32, #tpu.memory_space<vmem_shared>> -> memref<640x128xf32, #tpu.memory_space<vmem_shared>>
      tpu.wait_dma2 semaphore(%run_scoped3A : memref<!tpu.dma_semaphore, #tpu.memory_space<semaphore_mem>>) src(%dma_wait3A_47 : memref<640x128xf32, #tpu.memory_space<vmem_shared>>) dst(%dma_wait3A_45 : memref<640x128xf32, #tpu.memory_space<hbm>>)
      tpu.yield
    }) : () -> ()
    return
  }
}

module attributes {stable_mosaic.version = 14 : i64} {
  func.func @_dense_body(%arg0: i32, %arg1: memref<1024x128xf32, #tpu.memory_space<vmem>>, %arg2: memref<2x1024x128xf32, #tpu.memory_space<vmem>>, %arg3: memref<32x8x1x128xf32, #tpu.memory_space<vmem>>, %arg4: memref<128x4xf32, #tpu.memory_space<vmem>>, %arg5: memref<1x4xf32, #tpu.memory_space<vmem>>, %arg6: memref<4x128x128xf32, #tpu.memory_space<vmem>>, %arg7: memref<1024x128xf32, #tpu.memory_space<vmem>>) attributes {dimension_semantics = [#tpu.dimension_semantics<arbitrary>], iteration_bounds = array<i64: 10>, scalar_prefetch = 0 : i64, scratch_operands = 0 : i64, tpu.core_type = #tpu.core_type<tc>, window_params = [{transform_indices = @transform_0, window_bounds = array<i64: 1024, 128>}, {transform_indices = @transform_1, window_bounds = array<i64: 2, 1024, 128>}, {transform_indices = @transform_2, window_bounds = array<i64: 32, 8, 1, 128>}, {pipeline_mode = #tpu.pipeline_mode<synchronous>, transform_indices = @transform_3, window_bounds = array<i64: 128, 4>}, {pipeline_mode = #tpu.pipeline_mode<synchronous>, transform_indices = @transform_4, window_bounds = array<i64: 1, 4>}, {pipeline_mode = #tpu.pipeline_mode<synchronous>, transform_indices = @transform_5, window_bounds = array<i64: 4, 128, 128>}, {transform_indices = @transform_6, window_bounds = array<i64: 1024, 128>}]} {
    %get3A = arith.constant 0 : index
    %get3A_0 = arith.constant 0 : index
    %get3A_1 = vector.load %arg1[%get3A, %get3A_0] : memref<1024x128xf32, #tpu.memory_space<vmem>>, vector<1024x128xf32>
    %get3A_2 = arith.constant 0 : index
    %get3A_3 = arith.constant 0 : index
    %get3A_4 = vector.load %arg4[%get3A_2, %get3A_3] : memref<128x4xf32, #tpu.memory_space<vmem>>, vector<128x4xf32>
    %dot_general3A = arith.constant dense<0.000000e+00> : vector<1024x4xf32>
    %dot_general3A_5 = tpu.matmul %get3A_1, %get3A_4, %dot_general3A {dimension_numbers = #tpu.dot_dimension_numbers<[1], [0], [0], [1], [0, 0, 1, 1], [], []>, transpose_lhs_hint = false} : vector<1024x128xf32>, vector<128x4xf32>, vector<1024x4xf32> -> vector<1024x4xf32>
    %get3A_6 = arith.constant 0 : index
    %get3A_7 = arith.constant 0 : index
    %get3A_8 = vector.load %arg5[%get3A_6, %get3A_7] : memref<1x4xf32, #tpu.memory_space<vmem>>, vector<1x4xf32>
    %add3A = vector.broadcast %get3A_8 : vector<1x4xf32> to vector<1024x4xf32>
    %add3A_9 = arith.addf %dot_general3A_5, %add3A : vector<1024x4xf32>
    %reduce_max3A = arith.constant dense<0xFF800000> : vector<1024xf32>
    %reduce_max3A_10 = vector.multi_reduction <maximumf>, %add3A_9, %reduce_max3A [1] : vector<1024x4xf32> to vector<1024xf32>
    %broadcast_in_dim3A = vector.shape_cast %reduce_max3A_10 : vector<1024xf32> to vector<1024x1xf32>
    %sub3A = vector.broadcast %broadcast_in_dim3A : vector<1024x1xf32> to vector<1024x4xf32>
    %sub3A_11 = arith.subf %add3A_9, %sub3A : vector<1024x4xf32>
    %exp3A = math.exp %sub3A_11 : vector<1024x4xf32>
    %reduce_sum3A = arith.constant dense<0.000000e+00> : vector<1024xf32>
    %reduce_sum3A_12 = vector.multi_reduction <add>, %exp3A, %reduce_sum3A [1] : vector<1024x4xf32> to vector<1024xf32>
    %broadcast_in_dim3A_13 = vector.shape_cast %reduce_sum3A_12 : vector<1024xf32> to vector<1024x1xf32>
    %div3A = vector.broadcast %broadcast_in_dim3A_13 : vector<1024x1xf32> to vector<1024x4xf32>
    %div3A_14 = arith.divf %exp3A, %div3A : vector<1024x4xf32>
    %get3A_15 = arith.constant 0 : index
    %get3A_16 = arith.constant 0 : index
    %get3A_17 = arith.constant 0 : index
    %get3A_18 = vector.load %arg2[%get3A_15, %get3A_16, %get3A_17] : memref<2x1024x128xf32, #tpu.memory_space<vmem>>, vector<1x1024x128xf32>
    %get3A_19 = vector.shape_cast %get3A_18 : vector<1x1024x128xf32> to vector<1024x128xf32>
    %get3A_20 = arith.constant 1 : index
    %get3A_21 = arith.constant 0 : index
    %get3A_22 = arith.constant 0 : index
    %get3A_23 = vector.load %arg2[%get3A_20, %get3A_21, %get3A_22] : memref<2x1024x128xf32, #tpu.memory_space<vmem>>, vector<1x1024x128xf32>
    %get3A_24 = vector.shape_cast %get3A_23 : vector<1x1024x128xf32> to vector<1024x128xf32>
    %add3A_25 = arith.addf %get3A_19, %get3A_24 : vector<1024x128xf32>
    %get3A_26 = arith.constant 0 : index
    %get3A_27 = arith.constant 0 : index
    %get3A_28 = arith.constant 0 : index
    %get3A_29 = arith.constant 0 : index
    %get3A_30 = vector.load %arg3[%get3A_26, %get3A_27, %get3A_28, %get3A_29] : memref<32x8x1x128xf32, #tpu.memory_space<vmem>>, vector<32x8x1x128xf32>
    %reduce_sum3A_31 = arith.constant dense<0.000000e+00> : vector<8x128xf32>
    %reduce_sum3A_32 = vector.multi_reduction <add>, %get3A_30, %reduce_sum3A_31 [0, 2] : vector<32x8x1x128xf32> to vector<8x128xf32>
    %max3A = arith.constant 1.000000e+00 : f32
    %max3A_33 = vector.broadcast %max3A : f32 to vector<8x128xf32>
    %max3A_34 = arith.maximumf %reduce_sum3A_32, %max3A_33 : vector<8x128xf32>
    %div3A_35 = arith.constant 1.000000e+00 : f32
    %div3A_36 = vector.broadcast %div3A_35 : f32 to vector<8x128xf32>
    %div3A_37 = arith.divf %div3A_36, %max3A_34 : vector<8x128xf32>
    %iota3A = tpu.iota {dimensions = array<i32: 0>} : vector<128x128xi32>
    %iota3A_38 = tpu.iota {dimensions = array<i32: 1>} : vector<128x128xi32>
    %eq3A = arith.cmpi eq, %iota3A, %iota3A_38 : vector<128x128xi32>
    %slice3A = vector.extract_strided_slice %div3A_37 {offsets = [0, 0], sizes = [1, 128], strides = [1, 1]} : vector<8x128xf32> to vector<1x128xf32>
    %broadcast_in_dim3A_39 = vector.shape_cast %slice3A : vector<1x128xf32> to vector<1x128xf32>
    %broadcast_in_dim3A_40 = vector.broadcast %broadcast_in_dim3A_39 : vector<1x128xf32> to vector<128x128xf32>
    %jit3A = arith.constant 0.000000e+00 : f32
    %broadcast_in_dim3A_41 = vector.broadcast %jit3A : f32 to vector<128x128xf32>
    %select_n3A = arith.select %eq3A, %broadcast_in_dim3A_40, %broadcast_in_dim3A_41 : vector<128x128xi1>, vector<128x128xf32>
    %slice3A_42 = vector.extract_strided_slice %add3A_25 {offsets = [0, 0], sizes = [128, 128], strides = [1, 1]} : vector<1024x128xf32> to vector<128x128xf32>
    %dot_general3A_43 = arith.constant dense<0.000000e+00> : vector<128x128xf32>
    %dot_general3A_44 = tpu.matmul %select_n3A, %slice3A_42, %dot_general3A_43 {dimension_numbers = #tpu.dot_dimension_numbers<[1], [0], [0], [1], [0, 0, 1, 1], [], []>, transpose_lhs_hint = false} : vector<128x128xf32>, vector<128x128xf32>, vector<128x128xf32> -> vector<128x128xf32>
    %slice3A_45 = vector.extract_strided_slice %div3A_37 {offsets = [1, 0], sizes = [1, 128], strides = [1, 1]} : vector<8x128xf32> to vector<1x128xf32>
    %broadcast_in_dim3A_46 = vector.shape_cast %slice3A_45 : vector<1x128xf32> to vector<1x128xf32>
    %broadcast_in_dim3A_47 = vector.broadcast %broadcast_in_dim3A_46 : vector<1x128xf32> to vector<128x128xf32>
    %jit3A_48 = arith.constant 0.000000e+00 : f32
    %broadcast_in_dim3A_49 = vector.broadcast %jit3A_48 : f32 to vector<128x128xf32>
    %select_n3A_50 = arith.select %eq3A, %broadcast_in_dim3A_47, %broadcast_in_dim3A_49 : vector<128x128xi1>, vector<128x128xf32>
    %slice3A_51 = vector.extract_strided_slice %add3A_25 {offsets = [128, 0], sizes = [128, 128], strides = [1, 1]} : vector<1024x128xf32> to vector<128x128xf32>
    %dot_general3A_52 = arith.constant dense<0.000000e+00> : vector<128x128xf32>
    %dot_general3A_53 = tpu.matmul %select_n3A_50, %slice3A_51, %dot_general3A_52 {dimension_numbers = #tpu.dot_dimension_numbers<[1], [0], [0], [1], [0, 0, 1, 1], [], []>, transpose_lhs_hint = false} : vector<128x128xf32>, vector<128x128xf32>, vector<128x128xf32> -> vector<128x128xf32>
    %slice3A_54 = vector.extract_strided_slice %div3A_37 {offsets = [2, 0], sizes = [1, 128], strides = [1, 1]} : vector<8x128xf32> to vector<1x128xf32>
    %broadcast_in_dim3A_55 = vector.shape_cast %slice3A_54 : vector<1x128xf32> to vector<1x128xf32>
    %broadcast_in_dim3A_56 = vector.broadcast %broadcast_in_dim3A_55 : vector<1x128xf32> to vector<128x128xf32>
    %jit3A_57 = arith.constant 0.000000e+00 : f32
    %broadcast_in_dim3A_58 = vector.broadcast %jit3A_57 : f32 to vector<128x128xf32>
    %select_n3A_59 = arith.select %eq3A, %broadcast_in_dim3A_56, %broadcast_in_dim3A_58 : vector<128x128xi1>, vector<128x128xf32>
    %slice3A_60 = vector.extract_strided_slice %add3A_25 {offsets = [256, 0], sizes = [128, 128], strides = [1, 1]} : vector<1024x128xf32> to vector<128x128xf32>
    %dot_general3A_61 = arith.constant dense<0.000000e+00> : vector<128x128xf32>
    %dot_general3A_62 = tpu.matmul %select_n3A_59, %slice3A_60, %dot_general3A_61 {dimension_numbers = #tpu.dot_dimension_numbers<[1], [0], [0], [1], [0, 0, 1, 1], [], []>, transpose_lhs_hint = false} : vector<128x128xf32>, vector<128x128xf32>, vector<128x128xf32> -> vector<128x128xf32>
    %slice3A_63 = vector.extract_strided_slice %div3A_37 {offsets = [3, 0], sizes = [1, 128], strides = [1, 1]} : vector<8x128xf32> to vector<1x128xf32>
    %broadcast_in_dim3A_64 = vector.shape_cast %slice3A_63 : vector<1x128xf32> to vector<1x128xf32>
    %broadcast_in_dim3A_65 = vector.broadcast %broadcast_in_dim3A_64 : vector<1x128xf32> to vector<128x128xf32>
    %jit3A_66 = arith.constant 0.000000e+00 : f32
    %broadcast_in_dim3A_67 = vector.broadcast %jit3A_66 : f32 to vector<128x128xf32>
    %select_n3A_68 = arith.select %eq3A, %broadcast_in_dim3A_65, %broadcast_in_dim3A_67 : vector<128x128xi1>, vector<128x128xf32>
    %slice3A_69 = vector.extract_strided_slice %add3A_25 {offsets = [384, 0], sizes = [128, 128], strides = [1, 1]} : vector<1024x128xf32> to vector<128x128xf32>
    %dot_general3A_70 = arith.constant dense<0.000000e+00> : vector<128x128xf32>
    %dot_general3A_71 = tpu.matmul %select_n3A_68, %slice3A_69, %dot_general3A_70 {dimension_numbers = #tpu.dot_dimension_numbers<[1], [0], [0], [1], [0, 0, 1, 1], [], []>, transpose_lhs_hint = false} : vector<128x128xf32>, vector<128x128xf32>, vector<128x128xf32> -> vector<128x128xf32>
    %slice3A_72 = vector.extract_strided_slice %div3A_37 {offsets = [4, 0], sizes = [1, 128], strides = [1, 1]} : vector<8x128xf32> to vector<1x128xf32>
    %broadcast_in_dim3A_73 = vector.shape_cast %slice3A_72 : vector<1x128xf32> to vector<1x128xf32>
    %broadcast_in_dim3A_74 = vector.broadcast %broadcast_in_dim3A_73 : vector<1x128xf32> to vector<128x128xf32>
    %jit3A_75 = arith.constant 0.000000e+00 : f32
    %broadcast_in_dim3A_76 = vector.broadcast %jit3A_75 : f32 to vector<128x128xf32>
    %select_n3A_77 = arith.select %eq3A, %broadcast_in_dim3A_74, %broadcast_in_dim3A_76 : vector<128x128xi1>, vector<128x128xf32>
    %slice3A_78 = vector.extract_strided_slice %add3A_25 {offsets = [512, 0], sizes = [128, 128], strides = [1, 1]} : vector<1024x128xf32> to vector<128x128xf32>
    %dot_general3A_79 = arith.constant dense<0.000000e+00> : vector<128x128xf32>
    %dot_general3A_80 = tpu.matmul %select_n3A_77, %slice3A_78, %dot_general3A_79 {dimension_numbers = #tpu.dot_dimension_numbers<[1], [0], [0], [1], [0, 0, 1, 1], [], []>, transpose_lhs_hint = false} : vector<128x128xf32>, vector<128x128xf32>, vector<128x128xf32> -> vector<128x128xf32>
    %slice3A_81 = vector.extract_strided_slice %div3A_37 {offsets = [5, 0], sizes = [1, 128], strides = [1, 1]} : vector<8x128xf32> to vector<1x128xf32>
    %broadcast_in_dim3A_82 = vector.shape_cast %slice3A_81 : vector<1x128xf32> to vector<1x128xf32>
    %broadcast_in_dim3A_83 = vector.broadcast %broadcast_in_dim3A_82 : vector<1x128xf32> to vector<128x128xf32>
    %jit3A_84 = arith.constant 0.000000e+00 : f32
    %broadcast_in_dim3A_85 = vector.broadcast %jit3A_84 : f32 to vector<128x128xf32>
    %select_n3A_86 = arith.select %eq3A, %broadcast_in_dim3A_83, %broadcast_in_dim3A_85 : vector<128x128xi1>, vector<128x128xf32>
    %slice3A_87 = vector.extract_strided_slice %add3A_25 {offsets = [640, 0], sizes = [128, 128], strides = [1, 1]} : vector<1024x128xf32> to vector<128x128xf32>
    %dot_general3A_88 = arith.constant dense<0.000000e+00> : vector<128x128xf32>
    %dot_general3A_89 = tpu.matmul %select_n3A_86, %slice3A_87, %dot_general3A_88 {dimension_numbers = #tpu.dot_dimension_numbers<[1], [0], [0], [1], [0, 0, 1, 1], [], []>, transpose_lhs_hint = false} : vector<128x128xf32>, vector<128x128xf32>, vector<128x128xf32> -> vector<128x128xf32>
    %slice3A_90 = vector.extract_strided_slice %div3A_37 {offsets = [6, 0], sizes = [1, 128], strides = [1, 1]} : vector<8x128xf32> to vector<1x128xf32>
    %broadcast_in_dim3A_91 = vector.shape_cast %slice3A_90 : vector<1x128xf32> to vector<1x128xf32>
    %broadcast_in_dim3A_92 = vector.broadcast %broadcast_in_dim3A_91 : vector<1x128xf32> to vector<128x128xf32>
    %jit3A_93 = arith.constant 0.000000e+00 : f32
    %broadcast_in_dim3A_94 = vector.broadcast %jit3A_93 : f32 to vector<128x128xf32>
    %select_n3A_95 = arith.select %eq3A, %broadcast_in_dim3A_92, %broadcast_in_dim3A_94 : vector<128x128xi1>, vector<128x128xf32>
    %slice3A_96 = vector.extract_strided_slice %add3A_25 {offsets = [768, 0], sizes = [128, 128], strides = [1, 1]} : vector<1024x128xf32> to vector<128x128xf32>
    %dot_general3A_97 = arith.constant dense<0.000000e+00> : vector<128x128xf32>
    %dot_general3A_98 = tpu.matmul %select_n3A_95, %slice3A_96, %dot_general3A_97 {dimension_numbers = #tpu.dot_dimension_numbers<[1], [0], [0], [1], [0, 0, 1, 1], [], []>, transpose_lhs_hint = false} : vector<128x128xf32>, vector<128x128xf32>, vector<128x128xf32> -> vector<128x128xf32>
    %slice3A_99 = vector.extract_strided_slice %div3A_37 {offsets = [7, 0], sizes = [1, 128], strides = [1, 1]} : vector<8x128xf32> to vector<1x128xf32>
    %broadcast_in_dim3A_100 = vector.shape_cast %slice3A_99 : vector<1x128xf32> to vector<1x128xf32>
    %broadcast_in_dim3A_101 = vector.broadcast %broadcast_in_dim3A_100 : vector<1x128xf32> to vector<128x128xf32>
    %jit3A_102 = arith.constant 0.000000e+00 : f32
    %broadcast_in_dim3A_103 = vector.broadcast %jit3A_102 : f32 to vector<128x128xf32>
    %select_n3A_104 = arith.select %eq3A, %broadcast_in_dim3A_101, %broadcast_in_dim3A_103 : vector<128x128xi1>, vector<128x128xf32>
    %slice3A_105 = vector.extract_strided_slice %add3A_25 {offsets = [896, 0], sizes = [128, 128], strides = [1, 1]} : vector<1024x128xf32> to vector<128x128xf32>
    %dot_general3A_106 = arith.constant dense<0.000000e+00> : vector<128x128xf32>
    %dot_general3A_107 = tpu.matmul %select_n3A_104, %slice3A_105, %dot_general3A_106 {dimension_numbers = #tpu.dot_dimension_numbers<[1], [0], [0], [1], [0, 0, 1, 1], [], []>, transpose_lhs_hint = false} : vector<128x128xf32>, vector<128x128xf32>, vector<128x128xf32> -> vector<128x128xf32>
    %concatenate3A = tpu.concatenate %dot_general3A_44, %dot_general3A_53, %dot_general3A_62, %dot_general3A_71, %dot_general3A_80, %dot_general3A_89, %dot_general3A_98, %dot_general3A_107 in 0 : vector<128x128xf32>, vector<128x128xf32>, vector<128x128xf32>, vector<128x128xf32>, vector<128x128xf32>, vector<128x128xf32>, vector<128x128xf32>, vector<128x128xf32> -> vector<1024x128xf32>
    %get3A_108 = arith.constant 0 : index
    %get3A_109 = arith.constant 0 : index
    %get3A_110 = arith.constant 0 : index
    %get3A_111 = vector.load %arg6[%get3A_108, %get3A_109, %get3A_110] : memref<4x128x128xf32, #tpu.memory_space<vmem>>, vector<1x128x128xf32>
    %get3A_112 = vector.shape_cast %get3A_111 : vector<1x128x128xf32> to vector<128x128xf32>
    %dot_general3A_113 = arith.constant dense<0.000000e+00> : vector<1024x128xf32>
    %dot_general3A_114 = tpu.matmul %concatenate3A, %get3A_112, %dot_general3A_113 {dimension_numbers = #tpu.dot_dimension_numbers<[1], [0], [0], [1], [0, 0, 1, 1], [], []>, transpose_lhs_hint = false} : vector<1024x128xf32>, vector<128x128xf32>, vector<1024x128xf32> -> vector<1024x128xf32>
    %slice3A_115 = vector.extract_strided_slice %div3A_14 {offsets = [0, 0], sizes = [1024, 1], strides = [1, 1]} : vector<1024x4xf32> to vector<1024x1xf32>
    %mul3A = vector.broadcast %slice3A_115 : vector<1024x1xf32> to vector<1024x128xf32>
    %mul3A_116 = arith.mulf %mul3A, %dot_general3A_114 : vector<1024x128xf32>
    %add3A_117 = arith.addf %get3A_1, %mul3A_116 : vector<1024x128xf32>
    %get3A_118 = arith.constant 1 : index
    %get3A_119 = arith.constant 0 : index
    %get3A_120 = arith.constant 0 : index
    %get3A_121 = vector.load %arg6[%get3A_118, %get3A_119, %get3A_120] : memref<4x128x128xf32, #tpu.memory_space<vmem>>, vector<1x128x128xf32>
    %get3A_122 = vector.shape_cast %get3A_121 : vector<1x128x128xf32> to vector<128x128xf32>
    %dot_general3A_123 = arith.constant dense<0.000000e+00> : vector<1024x128xf32>
    %dot_general3A_124 = tpu.matmul %concatenate3A, %get3A_122, %dot_general3A_123 {dimension_numbers = #tpu.dot_dimension_numbers<[1], [0], [0], [1], [0, 0, 1, 1], [], []>, transpose_lhs_hint = false} : vector<1024x128xf32>, vector<128x128xf32>, vector<1024x128xf32> -> vector<1024x128xf32>
    %slice3A_125 = vector.extract_strided_slice %div3A_14 {offsets = [0, 1], sizes = [1024, 1], strides = [1, 1]} : vector<1024x4xf32> to vector<1024x1xf32>
    %mul3A_126 = vector.broadcast %slice3A_125 : vector<1024x1xf32> to vector<1024x128xf32>
    %mul3A_127 = arith.mulf %mul3A_126, %dot_general3A_124 : vector<1024x128xf32>
    %add3A_128 = arith.addf %add3A_117, %mul3A_127 : vector<1024x128xf32>
    %get3A_129 = arith.constant 2 : index
    %get3A_130 = arith.constant 0 : index
    %get3A_131 = arith.constant 0 : index
    %get3A_132 = vector.load %arg6[%get3A_129, %get3A_130, %get3A_131] : memref<4x128x128xf32, #tpu.memory_space<vmem>>, vector<1x128x128xf32>
    %get3A_133 = vector.shape_cast %get3A_132 : vector<1x128x128xf32> to vector<128x128xf32>
    %dot_general3A_134 = arith.constant dense<0.000000e+00> : vector<1024x128xf32>
    %dot_general3A_135 = tpu.matmul %concatenate3A, %get3A_133, %dot_general3A_134 {dimension_numbers = #tpu.dot_dimension_numbers<[1], [0], [0], [1], [0, 0, 1, 1], [], []>, transpose_lhs_hint = false} : vector<1024x128xf32>, vector<128x128xf32>, vector<1024x128xf32> -> vector<1024x128xf32>
    %slice3A_136 = vector.extract_strided_slice %div3A_14 {offsets = [0, 2], sizes = [1024, 1], strides = [1, 1]} : vector<1024x4xf32> to vector<1024x1xf32>
    %mul3A_137 = vector.broadcast %slice3A_136 : vector<1024x1xf32> to vector<1024x128xf32>
    %mul3A_138 = arith.mulf %mul3A_137, %dot_general3A_135 : vector<1024x128xf32>
    %add3A_139 = arith.addf %add3A_128, %mul3A_138 : vector<1024x128xf32>
    %get3A_140 = arith.constant 3 : index
    %get3A_141 = arith.constant 0 : index
    %get3A_142 = arith.constant 0 : index
    %get3A_143 = vector.load %arg6[%get3A_140, %get3A_141, %get3A_142] : memref<4x128x128xf32, #tpu.memory_space<vmem>>, vector<1x128x128xf32>
    %get3A_144 = vector.shape_cast %get3A_143 : vector<1x128x128xf32> to vector<128x128xf32>
    %dot_general3A_145 = arith.constant dense<0.000000e+00> : vector<1024x128xf32>
    %dot_general3A_146 = tpu.matmul %concatenate3A, %get3A_144, %dot_general3A_145 {dimension_numbers = #tpu.dot_dimension_numbers<[1], [0], [0], [1], [0, 0, 1, 1], [], []>, transpose_lhs_hint = false} : vector<1024x128xf32>, vector<128x128xf32>, vector<1024x128xf32> -> vector<1024x128xf32>
    %slice3A_147 = vector.extract_strided_slice %div3A_14 {offsets = [0, 3], sizes = [1024, 1], strides = [1, 1]} : vector<1024x4xf32> to vector<1024x1xf32>
    %mul3A_148 = vector.broadcast %slice3A_147 : vector<1024x1xf32> to vector<1024x128xf32>
    %mul3A_149 = arith.mulf %mul3A_148, %dot_general3A_146 : vector<1024x128xf32>
    %add3A_150 = arith.addf %add3A_139, %mul3A_149 : vector<1024x128xf32>
    %max3A_151 = arith.constant 0.000000e+00 : f32
    %max3A_152 = vector.broadcast %max3A_151 : f32 to vector<1024x128xf32>
    %max3A_153 = arith.maximumf %add3A_150, %max3A_152 : vector<1024x128xf32>
    %swap3A = arith.constant 0 : index
    %swap3A_154 = arith.constant 0 : index
    %swap3A_155 = vector.load %arg7[%swap3A, %swap3A_154] : memref<1024x128xf32, #tpu.memory_space<vmem>>, vector<1024x128xf32>
    tpu.vector_store %arg7[%swap3A, %swap3A_154], %max3A_153 {strides = array<i32>} : memref<1024x128xf32, #tpu.memory_space<vmem>>, vector<1024x128xf32>,
    return
  }
  func.func @transform_0(%arg0: i32) -> (i32, i32) {
    %c0_i32 = arith.constant 0 : i32
    %c0_i32_0 = arith.constant 0 : i32
    return %arg0, %c0_i32 : i32, i32
  }
  func.func @transform_1(%arg0: i32) -> (i32, i32, i32) {
    %c0_i32 = arith.constant 0 : i32
    %c0_i32_0 = arith.constant 0 : i32
    %c0_i32_1 = arith.constant 0 : i32
    return %c0_i32, %arg0, %c0_i32_0 : i32, i32, i32
  }
  func.func @transform_2(%arg0: i32) -> (i32, i32, i32, i32) {
    %c0_i32 = arith.constant 0 : i32
    %c0_i32_0 = arith.constant 0 : i32
    %c0_i32_1 = arith.constant 0 : i32
    %c0_i32_2 = arith.constant 0 : i32
    return %c0_i32, %arg0, %c0_i32_0, %c0_i32_1 : i32, i32, i32, i32
  }
  func.func @transform_3(%arg0: i32) -> (i32, i32) {
    %c0_i32 = arith.constant 0 : i32
    %c0_i32_0 = arith.constant 0 : i32
    %c0_i32_1 = arith.constant 0 : i32
    return %c0_i32, %c0_i32_0 : i32, i32
  }
  func.func @transform_4(%arg0: i32) -> (i32, i32) {
    %c0_i32 = arith.constant 0 : i32
    %c0_i32_0 = arith.constant 0 : i32
    %c0_i32_1 = arith.constant 0 : i32
    return %c0_i32, %c0_i32_0 : i32, i32
  }
  func.func @transform_5(%arg0: i32) -> (i32, i32, i32) {
    %c0_i32 = arith.constant 0 : i32
    %c0_i32_0 = arith.constant 0 : i32
    %c0_i32_1 = arith.constant 0 : i32
    %c0_i32_2 = arith.constant 0 : i32
    return %c0_i32, %c0_i32_0, %c0_i32_1 : i32, i32, i32
  }
  func.func @transform_6(%arg0: i32) -> (i32, i32) {
    %c0_i32 = arith.constant 0 : i32
    %c0_i32_0 = arith.constant 0 : i32
    return %arg0, %c0_i32 : i32, i32
  }
}

</mosaic_0001>

<sc_bundles>
// kernel: kernel.4.cloned.1.call-start
scs
__scs_entry_jumppad:
0x0: {  	(pc) =	sbr.rel $0x88, $3  }
0x1: {  	(tag) =	ssettag $0x0;
	lr =	simm.s32 $0x1  }
0x2: {  	[smem:$0x3F9B] =	sst lr;
	_ =	strace $0xD0000000  }
0x3: {  	_ = 	snop  }
0x4: {  	_ = 	snop  }
0x5: {  	_ = 	snop  }
0x6: {  	_ = 	snop  }
0x7: {  	_ = 	snop  }
__scs_overlays_trampoline_lowered:
0x8: {  	[smem:$0x3FAA] =	sst s0  }
0x9: {  	[smem:$0x3FAB] =	sst s1  }
0xa: {  	[smem:$0x3FAC] =	sst s2  }
0xb: {  	[smem:$0x3FAD] =	sst s3  }
0xc: {  	[smem:$0x3FAE] =	sst s4  }
0xd: {  	[smem:$0x3FAF] =	sst s5  }
0xe: {  	[smem:$0x3FB0] =	sst s6  }
0xf: {  	[smem:$0x3FB1] =	sst s7  }
0x10: {  	[smem:$0x3FB2] =	sst s8  }
0x11: {  	[smem:$0x3FB3] =	sst s9;
	s0 =	simm.s32 @!p0 $0x0  }
0x12: {  	s1 =	sld [smem:$0x3F99];
	s0 =	simm.s32 @p0 $0x1  }
0x13: {  	[smem:$0x3FB4] =	sst s0;
	s0 =	simm.s32 @!p1 $0x0  }
0x14: {  	s2 =	sld [smem:$0x3F98];
	s0 =	simm.s32 @p1 $0x1  }
0x15: {  	[smem:$0x3FB5] =	sst s0;
	s0 =	simm.s32 @!p2 $0x0  }
0x16: {  	s3 =	sld [smem:$0x3FDB];
	s0 =	simm.s32 @p2 $0x1  }
0x17: {  	s4 =	simm.s32 $0x1BF5;
	[smem:$0x3FB7] =	sst s0  }
0x18: {  	s0 =	sld [smem:$0x3F9A];
	_ =	swait.ge [sflag:s4], $0x0  }
0x19: {  	s7 =	sld [smem:$0x3F9B]  }
0x1a: {  	s8 =	sadd.s32 $0xFFFFE003, lr  }
0x1b: {  	s9 =	sadd.s32 $0xFFFFFEF7, lr;
	s5 =	simm.s32 $0xFFFFFFFF;
	p2 =	slt.u32 s8, $0xFFFFF086  }
0x1c: {  	p1 =	slt.u32 s9, $0xF7A;
	s5 =	simm.s32 @!p2 $0x0  }
0x1d: {  	s5 =	simm.s32 @p1 $0x1;
	p0 =	seq.s32 s7, s2  }
0x1e: {  	s7 =	smul.u32 @!p0 $0xF7A, s2;
	p2 =	seq.s32 @!p0 s5, $0x0  }
0x1f: {  	s9 =	smul.u32 $0xF7A, s1;
	s8 =	simm.s32 @!p0 $0x1BF5;
	p2 =	por !p2, p0  }
0x20: {  	[sflag:s8] =	ssyncset.s32 @!p0 $0xFFFFF086;
	s6 =	sadd.s32 @!p0 s3, s7;
	s7 =	simm.s32 @!p0 $0x108  }
0x21: {  	s3 =	sadd.s32 s3, s9;
	s6 =	sadd.s32 @!p0 $0x88, s6;
	s7 =	simm.s32 @p2 $0x1082  }
0x22: {  	[simem:s7], [sflag:s8] =	dma.local @!p0 [hbm:s6], $0xF7A  }
0x23: {  	s9 =	sor.u32 $0xD0000000, s2;
	s6 =	simm.s32 $0x108;
	_ =	swait.ge @!p0 [sflag:s8], $0x0  }
0x24: {  	s3 =	sadd.s32 $0x88, s3;
	s6 =	simm.s32 @!p1 $0x1082;
	[sflag:s4] =	ssyncset.s32 $0xFFFFF086  }
0x25: {  	[simem:s6], [sflag:s4] =	dma.local [hbm:s3], $0xF7A  }
0x26: {  	[smem:$0x3F9B] =	sst s1;
	(tag) =	ssettag s2;
	_ =	strace s9  }
0x27: {  	s1 =	sld [smem:$0x3FAB]  }
0x28: {  	s2 =	sld [smem:$0x3FAC]  }
0x29: {  	s4 =	sld [smem:$0x3FAE]  }
0x2a: {  	p0 =	seq.s32 s5, $0x0;
	s5 =	sld [smem:$0x3FAF]  }
0x2b: {  	s6 =	sld [smem:$0x3FB0]  }
0x2c: {  	s7 =	sld [smem:$0x3FB1]  }
0x2d: {  	s3 =	simm.s32 $0x108;
	s8 =	sld [smem:$0x3FB2]  }
0x2e: {  	s3 =	simm.s32 @!p0 $0x1082;
	s9 =	sld [smem:$0x3FB3]  }
0x2f: {  	lr =	sadd.s32 s0, s3;
	s0 =	sld [smem:$0x3FAA]  }
0x30: {  	s3 =	sld [smem:$0x3FAD]  }
0x31: {  	[smem:$0x3FB6] =	sst s10  }
0x32: {  	s10 =	sld [smem:$0x3FB4];
	_ =	sdelay $0x3  }
0x33: {  	p0 =	seq.s32 s10, $0x1;
	s10 =	sld [smem:$0x3FB6];
	_ =	sdelay $0x3  }
0x34: {  	[smem:$0x3FB6] =	sst s10  }
0x35: {  	s10 =	sld [smem:$0x3FB5];
	_ =	sdelay $0x3  }
0x36: {  	p1 =	seq.s32 s10, $0x1;
	s10 =	sld [smem:$0x3FB6];
	_ =	sdelay $0x3  }
0x37: {  	[smem:$0x3FB6] =	sst s10  }
0x38: {  	s10 =	sld [smem:$0x3FB7]  }
0x39: {  	_ = 	snop;
	(pc) =	sbr.ind lr, $3  }
0x3a: {  	_ = 	snop  }
0x3b: {  	_ = 	snop  }
0x3c: {  	p2 =	seq.s32 s10, $0x1;
	s10 =	sld [smem:$0x3FB6]  }
0x3d: {  	_ =	shalt  }
0x3e: {  	_ =	shalt  }
0x3f: {  	_ =	shalt  }
0x40: {  	_ =	shalt  }
0x41: {  	_ =	shalt  }
0x42: {  	_ =	shalt  }
0x43: {  	_ =	shalt  }
0x44: {  	_ =	shalt  }
0x45: {  	_ =	shalt  }
0x46: {  	_ =	shalt  }
0x47: {  	_ =	shalt  }
0x48: {  	_ =	shalt  }
0x49: {  	_ =	shalt  }
0x4a: {  	_ =	shalt  }
0x4b: {  	_ =	shalt  }
0x4c: {  	_ =	shalt  }
0x4d: {  	_ =	shalt  }
0x4e: {  	_ =	shalt  }
0x4f: {  	_ =	shalt  }
0x50: {  	_ =	shalt  }
0x51: {  	_ =	shalt  }
0x52: {  	_ =	shalt  }
0x53: {  	_ =	shalt  }
0x54: {  	_ =	shalt  }
0x55: {  	_ =	shalt  }
0x56: {  	_ =	shalt  }
0x57: {  	_ =	shalt  }
0x58: {  	_ =	shalt  }
0x59: {  	_ =	shalt  }
0x5a: {  	_ =	shalt  }
0x5b: {  	_ =	shalt  }
0x5c: {  	_ =	shalt  }
0x5d: {  	_ =	shalt  }
0x5e: {  	_ =	shalt  }
0x5f: {  	_ =	shalt  }
0x60: {  	_ =	shalt  }
0x61: {  	_ =	shalt  }
0x62: {  	_ =	shalt  }
0x63: {  	_ =	shalt  }
0x64: {  	_ =	shalt  }
0x65: {  	_ =	shalt  }
0x66: {  	_ =	shalt  }
0x67: {  	_ =	shalt  }
0x68: {  	_ =	shalt  }
0x69: {  	_ =	shalt  }
0x6a: {  	_ =	shalt  }
0x6b: {  	_ =	shalt  }
0x6c: {  	_ =	shalt  }
0x6d: {  	_ =	shalt  }
0x6e: {  	_ =	shalt  }
0x6f: {  	_ =	shalt  }
0x70: {  	_ =	shalt  }
0x71: {  	_ =	shalt  }
0x72: {  	_ =	shalt  }
0x73: {  	_ =	shalt  }
0x74: {  	_ =	shalt  }
0x75: {  	_ =	shalt  }
0x76: {  	_ =	shalt  }
0x77: {  	_ =	shalt  }
0x78: {  	_ =	shalt  }
0x79: {  	_ =	shalt  }
0x7a: {  	_ =	shalt  }
0x7b: {  	_ =	shalt  }
0x7c: {  	_ =	shalt  }
0x7d: {  	_ =	shalt  }
0x7e: {  	_ =	shalt  }
0x7f: {  	_ =	shalt  }
0x80: {  	_ =	shalt  }
0x81: {  	_ =	shalt  }
0x82: {  	_ =	shalt  }
0x83: {  	_ =	shalt  }
0x84: {  	_ =	shalt  }
0x85: {  	_ =	shalt  }
0x86: {  	_ =	shalt  }
0x87: {  	_ =	shalt  }
.Lfunc_end0:
.L_simem_size_0:
called_computation_lowered:
.L_overlay_start_0:
0x88: {  	s2 =	sld [smem:$0x3FD9]  }
0x89: {  	s3 =	sld [smem:$0x3FFE];
	_ =	sdelay $0x1  }
0x8a: {  	s1 =	srdreg.scid  }
0x8b: {  	s0 =	sand.u32 $0x1, s1  }
0x8c: {  	s17 =	sshll.u32 s0, $0xA;
	s2 =	sadd.s32 s3, s2  }
0x8d: {  	s2 =	sadd.s32 s2, s17  }
0x8e: {  	[smem:$0x3FC2] =	sst s2  }
0x8f: {  	_ = 	snop  }
0x90: {  	s2 =	sld [smem:$0x3FC9]  }
0x91: {  	s18 =	sld [smem:$0x3FD0];
	(tm) =	ssettm $0x1  }
0x92: {  	s4 =	sld [smem:$0x3FFB];
	_ =	sdelay $0x3  }
0x93: {  	_ =	strace s4  }
0x94: {  	s4 =	sld [smem:$0x3FFC];
	_ =	sdelay $0x3  }
0x95: {  	_ =	strace s4  }
0x96: {  	s4 =	sld [smem:$0x3FFD];
	_ =	sdelay $0x3  }
0x97: {  	_ =	strace s4  }
0x98: {  	_ =	strace $0x8FFFFFFF  }
0x99: {  	s19 =	sld [smem:$0x3FDB];
	_ =	sdelay $0x1  }
0x9a: {  	s5 =	simm.s32 $_scs_section_size  }
0x9b: {  	s6 =	simm.s32 $_size__tile_overlayer_lowered;
	s7 =	simm.s32 $_tile_overlayer_lowered  }
0x9c: {  	s22 =	simm.s32 $0x1BFF;
	s21 =	sshll.u32 s7, $0x1;
	s4 =	sadd.s32 s5, s19  }
0x9d: {  	s8 =	simm.s32 $0x0;
	s20 =	sshll.u32 s6, $0x1;
	s6 =	sadd.s32 s21, s4  }
0x9e: {  	[timem:s8], [sflag:s22] =	dma.local [hbm:s6], s20  }
0x9f: {  	_ =	swait.ge [sflag:s22], s20  }
0xa0: {  	s5 =	ssub.s32 $0x0, s20;
	[sflag:s22] =	ssyncset.done $0x0  }
0xa1: {  	[sflag:s22] =	ssyncadd.s32 s5;
	_ =	sdelay $0x1  }
0xa2: {  	s23 =	simm.s32 $0x1B8B  }
0xa3: {  	_ =	swait.ge [sflag:s23], $0x1  }
0xa4: {  	[sflag:s23] =	ssyncset.done $0x0  }
0xa5: {  	s25 =	simm.s32 $0x1B8E;
	s24 =	sld [smem:$0x3FFE];
	[sflag:s23] =	ssyncadd.s32 $0xFFFFFFFF  }
0xa6: {  	s26 =	simm.s32 $execute0_lowered;
	[smem:$0x3FD2] =	sst s25  }
0xa7: {  	s6 =	sshll.u32 s26, $0x1;
	_ =	strace $0x80000046;
	[dreg:$0x1] =	wrdreg $0xFFFFFFFF  }
0xa8: {  	s28 =	simm.s32 $_size_execute0_lowered;
	s4 =	sadd.s32 s4, s6;
	[dreg:$0x0] =	wrdreg $0x0  }
0xa9: {  	s6 =	sshll.u32 s28, $0x1;
	[dreg:$0x2] =	wrdreg s4  }
0xaa: {  	[dreg:$0x3] =	wrdreg s6  }
0xab: {  	[dreg:$0x4] =	wrdreg $0xC0  }
0xac: {  	_ =	task [dreg:s8], $0x5FFFF  }
0xad: {  	[dreg:$0x1] =	wrdreg $0xFFFFFFFF  }
0xae: {  	[dreg:$0x0] =	wrdreg $0x60  }
0xaf: {  	[dreg:$0x2] =	wrdreg s18  }
0xb0: {  	[dreg:$0x3] =	wrdreg s24  }
0xb1: {  	[dreg:$0x4] =	wrdreg s2  }
0xb2: {  	[dreg:$0x5] =	wrdreg $0xB8000  }
0xb3: {  	[dreg:$0x6] =	wrdreg $0x9  }
0xb4: {  	_ =	task.clear_ibuf [dreg:s8], $0x7FFFF;
	_ =	strace $0x90000046  }
0xb5: {  	s29 =	simm.s32 $0x9;
	_ =	strace $0x80000048  }
0xb6: {  	_ =	swait.ge [sflag:s29], $0x1  }
0xb7: {  	[sflag:s29] =	ssyncadd.s32 $0xFFFFFFFF  }
0xb8: {  	_ =	strace $0x90000048  }
0xb9: {  	_ =	sfence  }
0xba: {  	s30 =	sld [smem:$0x0];
	_ =	sdelay $0x2  }
0xbb: {  	s31 =	sshll.u32 s1, $0xD;
	s1 =	sshrl.u32 s1, $0x2  }
0xbc: {  	s3 =	sand.u32 $0x4000, s31;
	s1 =	sadd.s32 s1, s30  }
0xbd: {  	s0 =	sor.u32 s3, s0;
	s1 =	sshll.u32 s1, $0x11  }
0xbe: {  	s0 =	sor.u32 s1, s0  }
0xbf: {  	s0 =	sadd.s32 $0x8F2B, s0  }
0xc0: {  	[sflag:s0] =	ssyncadd.remote.s32 $0x1  }
0xc1: {  	_ =	sfence.sel $0xFFFF  }
0xc2: {  	[dreg:$0x0] =	wrdreg $0xFFFFFFFF;
	(pc) =	sbr.abs _section_cstart, $3  }
0xc3: {  	[dreg:$0x1] =	wrdreg $0xFFFFFFFF  }
0xc4: {  	_ =	task.clear_ibuf [dreg:s8], $0x2FFFF;
	_ =	strace $0x9FFFFFFF  }
0xc5: {  	(tm) =	ssettm $0x7FFFFFFF  }
tec
execute0_lowered:
.L_overlay_start_1:
0x0: {  	(tag) =	ssettag $0x1  }
0x1: {  	s8 =	rddreg [dreg:$0x0]  }
0x2: {  	s7 =	rddreg [dreg:$0x1]  }
0x3: {  	s1 =	srdreg.scid;
	s2 =	rddreg [dreg:$0x2]  }
0x4: {  	s0 =	stileid.u32;
	s3 =	rddreg [dreg:$0x3];
	s4 =	simm.s32 $0x0  }
0x5: {  	s18 =	simm.s32 $0x4F40;
	s19 =	simm.s32 $0x7000;
	s22 =	simm.s32 $0x400  }
0x6: {  	s9 =	sand.u32 $0x1, s1;
	s26 =	sshll.u32 s0, $0x1;
	s1 =	rddreg [dreg:$0x4]  }
0x7: {  	[smem:$0x7FF] =	sst s4;
	s14 =	smul.u32 $0x50000, s0;
	s6 =	sadd.s32 $0xB000, s7  }
0x8: {  	s29 =	sshrl.u32 s0, $0x3;
	s30 =	sshll.u32 s0, $0x6;
	s24 =	smul.u32 $0x2800, s0  }
0x9: {  	s17 =	sshll.u32 s0, $0x7;
	s5 =	sor.u32 s9, s26;
	s11 =	smul.u32 $0x28000, s9  }
0xa: {  	_ =	strace $0x80000047;
	s12 =	smul.u32 $0x5000, s9;
	s9 =	ssub.s32 $0x2, s9  }
0xb: {  	s16 =	smul.u32 $0x14000, s29;
	s31 =	sand.u32 $0x380, s17;
	s17 =	simm.s32 $0x1  }
0xc: {  	s10 =	smul.u32 $0x500, s5;
	s5 =	sadd.s32 $0xB600, s7;
	s28 =	sshrl.u32 s9, $0x1  }
0xd: {  	s14 =	sshrl.u32 s14, $0x2;
	s11 =	sadd.s32 s11, s7;
	s12 =	sadd.s32 s12, s7  }
0xe: {  	s15 =	ssub.s32 s9, s28;
	s14 =	sadd.s32 s14, s3;
	s13 =	sadd.s32 s10, s7  }
0xf: {  	s7 =	sor.u32 $0x1C02, s30;
	s8 =	sadd.s32 s8, s10;
	s20 =	sadd.s32 $0xDE00, s12  }
0x10: {  	s10 =	sor.u32 s31, s16;
	s23 =	sadd.s32 $0x17E00, s11;
	s11 =	sshrl.u32 s14, $0x3  }
0x11: {  	s12 =	simm.s32 $0x2;
	s14 =	simm.s32 $0x2800;
	s16 =	simm.s32 $0x5000  }
0x12: {  	s9 =	sadd.s32 $0x1000, s13;
	s21 =	sshrl.u32 s10, $0x3;
	s10 =	smax.u32 s15, $0x1  }
0x13: {  	s13 =	simm.s32 $0x9000;
	s15 =	simm.s32 $0x40;
	s23 =	sadd.s32 s24, s23  }
0x14: {  	v0 =	vimm.f32 $1.000000000e+00;
	s24 =	simm.s32 $0x0;
	s20 =	sadd.s32 s21, s20;
	s21 =	simm.s32 $0x80  }
.LBB2_1:
0x15: {  	[spmem:s11], [sflag:s7] =	dma.local [hbm:s5], $0x2800  }
0x16: {  	_ =	swait.ge [sflag:s12], $0x2800  }
0x17: {  	[sflag:s12] =	ssyncset.done $0x0  }
0x18: {  	[sflag:s12] =	ssyncadd.s32 $0xFFFFD800  }
0x19: {  	[tilespmem:s13], [sflag:$0x2] =	stream.linear.gather [hbm4b:s6+s4], $0x2800, $0x38;
	[tilespmem:$0x1F800] =	vst v63  }
0x1a: {  	_ =	swait.ge [sflag:s12], $0x2800  }
0x1b: {  	[sflag:s12] =	ssyncset.done $0x0  }
0x1c: {  	[sflag:s12] =	ssyncadd.s32 $0xFFFFD800  }
0x1d: {  	[tilespmem:s4], [sflag:$0x2] =	stream.linear.gather [hbm4b:s8+s4], $0x2780, $0x38;
	[tilespmem:$0x1F800] =	vst v63  }
0x1e: {  	_ =	swait.ge [sflag:s12], $0x2780  }
0x1f: {  	[sflag:s12] =	ssyncset.done $0x0  }
0x20: {  	[sflag:s12] =	ssyncadd.s32 $0xFFFFD880  }
0x21: {  	[tilespmem:s14], [sflag:$0x2] =	stream.linear.gather [hbm4b:s9+s4], $0x2780, $0x38;
	[tilespmem:$0x1F800] =	vst v63  }
0x22: {  	_ =	swait.ge [sflag:s12], $0x2780  }
0x23: {  	s25 =	sand.u32 $0xFE00, s4;
	[sflag:s12] =	ssyncset.done $0x0  }
0x24: {  	s26 =	sand.u32 $0x70, s4;
	s25 =	sshrl.u32 s25, $0x2;
	[sflag:s12] =	ssyncadd.s32 $0xFFFFD880  }
0x25: {  	s25 =	sor.u32 s26, s25;
	[bflag:$0x0] =	sbarrier.arrive $0xFFFF  }
0x26: {  	[tilespmem:s16], [sflag:$0x1] =	stream.indirect.gather [hbm4b:s2+s15], $0x80, s4, s15, $0xb8;
	[tilespmem:$0x1F800] =	vst v63  }
0x27: {  	v1 =	vld [tilespmem:s25+$0x2800];
	_ =	sdelay $0x4  }
0x28: {  	s28 =	simm.s32 $0x40  }
0x29: {  	s28 =	sand.u32 $0xFE00, s28;
	s26 =	simm.s32 $0x80;
	s25 =	simm.s32 $0x10  }
.LBB2_2:
0x2a: {  	p0 =	sne.s32 s26, $0x9DC0;
	s29 =	sand.u32 $0x70, s25;
	s28 =	sshrl.u32 s28, $0x2  }
0x2b: {  	s28 =	sor.u32 s29, s28;
	[tilespmem:v1+s13+$0x0] =	vst.idx.add.f32.msk $0xffff, v0  }
0x2c: {  	v1 =	vld [tilespmem:s28+$0x2800];
	_ =	sdelay $0x1  }
.Ltmp0:
0x2d: {  	(pc) =	sbr.rel @p0 .LBB2_2-.Ltmp0, $2  }
0x2e: {  	_ =	sdelay $0x2  }
0x2f: {  	s25 =	sadd.s32 $0x10, s25;
	s28 =	sand.u32 $0xFE00, s26;
	s26 =	sadd.s32 $0x40, s26  }
0x30: {  	_ =	sdelay $0x2  }
0x31: {  	s25 =	sand.u32 $0x70, s25;
	s26 =	sshrl.u32 s28, $0x2  }
0x32: {  	[tilespmem:v1+s13+$0x0] =	vst.idx.add.f32.msk $0xffff, v0;
	s25 =	sor.u32 s25, s26  }
0x33: {  	v1 =	vld [tilespmem:s25+$0x2800];
	_ =	sdelay $0x6  }
0x34: {  	s25 =	simm.s32 $0x0  }
0x35: {  	s26 =	simm.s32 $0x40;
	s31 =	sand.u32 $0x1, s25;
	s29 =	sand.u32 $0x3F80, s25;
	[tilespmem:v1+s13+$0x0] =	vst.idx.add.f32.msk $0xffff, v0  }
0x36: {  	s30 =	sshll.u32 s31, $0xD;
	s28 =	sshll.u32 s31, $0x6;
	_ =	swait.ge [sflag:s17], $0x2000  }
0x37: {  	s31 =	sxor.u32 $0x2000, s30;
	s28 =	sor.u32 s28, s29;
	[sflag:s17] =	ssyncset.done $0x0  }
0x38: {  	s29 =	sor.u32 $0x5000, s31;
	s31 =	sand.u32 $0x7FC0, s26;
	[sflag:s17] =	ssyncadd.s32 $0xFFFFE000  }
0x39: {  	[tilespmem:s29], [sflag:$0x1] =	stream.indirect.gather [hbm4b:s2+s15], $0x80, s31, s15, $0xb8;
	[tilespmem:$0x1F800] =	vst v63  }
0x3a: {  	s28 =	sadd.s32 $0x2800, s28;
	s31 =	sor.u32 $0x5000, s30  }
0x3b: {  	[spmem:s3] =	stream.indirect.scatter.add.f32 [tilespmem:s31], [sflag:$0x2], $0x80, s28, s15, $0xb8;
	[tilespmem:$0x1F800] =	vst v63  }
0x3c: {  	_ =	swait.ge [sflag:s12], $0x2000  }
0x3d: {  	[sflag:s12] =	ssyncset.done $0x0  }
.LBB2_4:
0x3e: {  	s25 =	sadd.s32 $0x1, s25  }
0x3f: {  	[sflag:s12] =	ssyncadd.s32 $0xFFFFE000;
	s28 =	smov.u32 s26;
	s29 =	sadd.s32 $0x40, s26  }
0x40: {  	p0 =	sne.s32 s26, $0x2700;
	s30 =	sand.u32 $0x1, s25;
	s28 =	sand.u32 $0x3F80, s28  }
0x41: {  	_ =	swait.ge [sflag:s17], $0x2000;
	s26 =	sshll.u32 s30, $0xD;
	s30 =	sshll.u32 s30, $0x6  }
0x42: {  	[sflag:s17] =	ssyncset.done $0x0;
	s31 =	sxor.u32 $0x2000, s26;
	s28 =	sor.u32 s30, s28  }
0x43: {  	[sflag:s17] =	ssyncadd.s32 $0xFFFFE000;
	s30 =	sor.u32 $0x5000, s31;
	s31 =	sand.u32 $0x7FC0, s29  }
0x44: {  	[tilespmem:s30], [sflag:$0x1] =	stream.indirect.gather [hbm4b:s2+s15], $0x80, s31, s15, $0xb8;
	[tilespmem:$0x1F800] =	vst v63  }
.Ltmp1:
0x45: {  	_ = 	snop;
	(pc) =	sbr.rel @p0 .LBB2_4-.Ltmp1, $4  }
0x46: {  	s26 =	sor.u32 $0x5000, s26;
	s28 =	sadd.s32 $0x2800, s28  }
0x47: {  	[spmem:s3] =	stream.indirect.scatter.add.f32 [tilespmem:s26], [sflag:$0x2], $0x80, s28, s15, $0xb8;
	[tilespmem:$0x1F800] =	vst v63  }
0x48: {  	_ =	swait.ge [sflag:s12], $0x2000  }
0x49: {  	s26 =	smov.u32 s29;
	[sflag:s12] =	ssyncset.done $0x0  }
0x4a: {  	[sflag:s12] =	ssyncadd.s32 $0xFFFFE000  }
0x4b: {  	_ =	swait.ge [sflag:s17], $0x2000  }
0x4c: {  	[sflag:s17] =	ssyncset.done $0x0  }
0x4d: {  	[sflag:s17] =	ssyncadd.s32 $0xFFFFE000  }
0x4e: {  	[spmem:s3] =	stream.indirect.scatter.add.f32 [tilespmem:s19], [sflag:$0x2], $0x80, s18, s15, $0xb8;
	[tilespmem:$0x1F800] =	vst v63  }
0x4f: {  	_ =	swait.ge [sflag:s12], $0x2000  }
0x50: {  	[sflag:s12] =	ssyncset.done $0x0  }
0x51: {  	[sflag:s12] =	ssyncadd.s32 $0xFFFFE000  }
0x52: {  	[hbm4b:s20+s21] =	stream.strided.scatter [tilespmem:s13], [sflag:$0x2], $0x2800, s22, s21, $0x38;
	[tilespmem:$0x1F800] =	vst v63  }
0x53: {  	_ =	swait.ge [sflag:s12], $0x2800  }
0x54: {  	s24 =	sadd.s32 $0x1, s24;
	[sflag:s12] =	ssyncset.done $0x0  }
0x55: {  	p0 =	sne.s32 s24, s10;
	[sflag:s12] =	ssyncadd.s32 $0xFFFFD800  }
.Ltmp2:
0x56: {  	[bflag:$0x0] =	sbarrier.arrive $0xFFFF;
	(pc) =	sbr.rel @p0 .LBB2_1-.Ltmp2, $4  }
0x57: {  	[hbm:s23], [sflag:s7] =	dma.local [spmem:s11], $0x2800  }
0x58: {  	_ =	swait.ge [sflag:s12], $0x2800  }
0x59: {  	[sflag:s12] =	ssyncset.done $0x0  }
0x5a: {  	[sflag:s12] =	ssyncadd.s32 $0xFFFFD800  }
0x5b: {  	_ =	sfence.sel $0x180000  }
0x5c: {  	[bflag:$0x0] =	sbarrier.arrive $0xFFFF  }
0x5d: {  	p0 =	sne.s32 s0, $0x0;
	_ =	strace $0x90000047  }
0x5e: {  	s0 =	sadd.s32 @!p0 $0x100000, s1;
	[bflag:$0x2] =	sbarrier.arrive $0xFFFF  }
0x5f: {  	[sflag:s0] =	ssyncadd.tile.s32 @!p0 $0x1;
	_ =	shalt  }
.Lfunc_end2:
_tile_overlayer_lowered:
.L_overlay_start_2:
0x60: {  	(tag) =	ssettag $0x2  }
0x61: {  	s0 =	rddreg [dreg:$0x0];
	s2 =	stileid.u32  }
0x62: {  	s1 =	rddreg [dreg:$0x1];
	p0 =	sne.s32 s2, $0x0  }
0x63: {  	s3 =	rddreg [dreg:$0x2];
	[bflag:$0x3] =	sbarrier.arrive $0xFFFF;
	s2 =	simm.s32 @!p0 $0x1C02  }
0x64: {  	[timem:s3], [sflag:s2] =	dma.local @!p0 [hbm:s0], s1  }
0x65: {  	s0 =	simm.s32 @!p0 $0x2  }
0x66: {  	_ =	swait.ge @!p0 [sflag:s0], s1  }
0x67: {  	s1 =	ssub.s32 @!p0 $0x0, s1;
	[sflag:s0] =	ssyncset.done @!p0 $0x0  }
0x68: {  	[sflag:s0] =	ssyncadd.s32 @!p0 s1  }
0x69: {  	[bflag:$0x3] =	sbarrier.arrive $0xFFFF  }
0x6a: {  	_ =	shalt  }

</sc_bundles>
